<compile_context>
chip_gen: v7x
topology: tpu7x:2x2x1
jax: 0.10.2.dev20260603
libtpu: 0.0.44.dev20260713+nightly
codegen_flags: <defaults>
</compile_context>

<pallas_src>
import functools

import jax
import jax.numpy as jnp
from jax import lax
from jax.experimental import pallas as pl
from jax.experimental.pallas import tpu as pltpu
from jax.experimental.pallas import tpu_sc as plsc

NSEG = 4096
NCORE = 2
NSUB = 16
NW = NCORE * NSUB
LANES = 16
WIN = 2000


def _iota():
    return lax.iota(jnp.int32, LANES)


def _phase1_body(n_pts, x_hbm, y_hbm, z_hbm, batch_hbm, part_hbm,
                 x_win, y_win, z_win, batch_win, acc, red, shared):
    cid = lax.axis_index("c")
    sid = lax.axis_index("s")
    wid = sid * NCORE + cid
    pts_per = n_pts // NW
    nwin = pts_per // WIN

    iota = _iota()
    q4 = lax.shift_right_logical(iota, 2)
    r4 = lax.bitwise_and(iota, 3)
    zero16 = jnp.zeros((LANES,), jnp.float32)

    def zero_body(i, _):
        acc[pl.ds(i * LANES, LANES)] = zero16
        return 0
    lax.fori_loop(0, NSEG, zero_body, 0)

    def win_body(w, _):
        base = wid * pts_per + w * WIN
        pltpu.sync_copy(x_hbm.at[pl.ds(base, WIN)], x_win)
        pltpu.sync_copy(y_hbm.at[pl.ds(base, WIN)], y_win)
        pltpu.sync_copy(z_hbm.at[pl.ds(base, WIN)], z_win)
        pltpu.sync_copy(batch_hbm.at[pl.ds(base, WIN)], batch_win)

        def grp_body(i, _):
            for u in range(4):
                g = i * 4 + u
                idx4 = q4 + 4 * g
                ids4 = plsc.load_gather(batch_win, [idx4])
                addr = ids4 * LANES + iota
                xg = plsc.load_gather(x_win, [idx4])
                yg = plsc.load_gather(y_win, [idx4])
                zg = plsc.load_gather(z_win, [idx4])
                vals = jnp.where(r4 == 0, xg,
                                 jnp.where(r4 == 1, yg,
                                           jnp.where(r4 == 2, zg, 1.0)))
                plsc.addupdate_scatter(acc, [addr], vals)
            return 0
        lax.fori_loop(0, WIN // LANES, grp_body, 0)
        return 0
    lax.fori_loop(0, nwin, win_body, 0)

    ix8 = iota ^ 8
    ix4 = iota ^ 4
    ix12 = iota ^ 12
    mlow = iota < 4

    def red_body(s, _):
        b = s * LANES
        v = acc[pl.ds(b, LANES)]
        g8 = plsc.load_gather(acc, [b + ix8])
        g4 = plsc.load_gather(acc, [b + ix4])
        g12 = plsc.load_gather(acc, [b + ix12])
        v4 = (v + g8) + (g4 + g12)
        plsc.store_scatter(red, [4 * s + iota], v4, mask=mlow)
        return 0
    lax.fori_loop(0, NSEG, red_body, 0)

    pltpu.sync_copy(red.at[pl.ds(0, 4 * NSEG)], shared.at[sid])
    plsc.subcore_barrier()

    seg = 4 * NSEG // NSUB
    for r in range(NSUB):
        pltpu.sync_copy(shared.at[r, pl.ds(sid * seg, seg)],
                        acc.at[pl.ds(r * seg, seg)])

    def sum_body(j, _):
        t = zero16
        for r in range(NSUB):
            t = t + acc[pl.ds(r * seg + j * LANES, LANES)]
        red[pl.ds(j * LANES, LANES)] = t
        return 0
    lax.fori_loop(0, seg // LANES, sum_body, 0)

    pltpu.sync_copy(red.at[pl.ds(0, seg)],
                    part_hbm.at[pl.ds(cid * 4 * NSEG + sid * seg, seg)])


def _phase2_body(n_pts, x_hbm, y_hbm, z_hbm, batch_hbm, part_hbm, par_hbm,
                 out_hbm, x_win, y_win, z_win, batch_win, out_win,
                 buf_a, buf_b, hbuf, pbuf):
    cid = lax.axis_index("c")
    sid = lax.axis_index("s")
    wid = sid * NCORE + cid
    pts_per = n_pts // NW
    nwin = pts_per // WIN

    iota = _iota()
    r4 = lax.bitwise_and(iota, 3)
    mask3 = r4 == 3
    or3 = iota | 3
    ix1 = iota ^ 1
    ix2 = iota ^ 2
    ix3 = iota ^ 3

    pltpu.sync_copy(part_hbm.at[pl.ds(0, 4 * NSEG)], buf_a)
    pltpu.sync_copy(part_hbm.at[pl.ds(4 * NSEG, 4 * NSEG)], buf_b)
    pltpu.sync_copy(par_hbm, pbuf)
    av = pbuf[pl.ds(0, LANES)]
    c0v = pbuf[pl.ds(LANES, LANES)]

    def h_body(i, _):
        b = i * LANES
        v = buf_a[pl.ds(b, LANES)] + buf_b[pl.ds(b, LANES)]
        buf_a[pl.ds(b, LANES)] = v
        cnt = plsc.load_gather(buf_a, [b + or3])
        c = v / jnp.maximum(cnt, 1.0)
        csq = jnp.where(mask3, 0.0, c * c)
        buf_b[pl.ds(b, LANES)] = csq
        s2 = ((csq + plsc.load_gather(buf_b, [b + ix1]))
              + (plsc.load_gather(buf_b, [b + ix2])
                 + plsc.load_gather(buf_b, [b + ix3])))
        h = jnp.where(mask3, av * s2 + c0v, (-2.0 * av) * c)
        hbuf[pl.ds(b, LANES)] = h
        return 0
    lax.fori_loop(0, 4 * NSEG // LANES, h_body, 0)

    def win_body(w, _):
        base = wid * pts_per + w * WIN
        pltpu.sync_copy(x_hbm.at[pl.ds(base, WIN)], x_win)
        pltpu.sync_copy(y_hbm.at[pl.ds(base, WIN)], y_win)
        pltpu.sync_copy(z_hbm.at[pl.ds(base, WIN)], z_win)
        pltpu.sync_copy(batch_hbm.at[pl.ds(base, WIN)], batch_win)

        def pt_body(i, _):
            off = i * LANES
            idv = batch_win[pl.ds(off, LANES)]
            xs = x_win[pl.ds(off, LANES)]
            ys = y_win[pl.ds(off, LANES)]
            zs = z_win[pl.ds(off, LANES)]
            hidx = idv * 4
            hx = plsc.load_gather(hbuf, [hidx])
            hy = plsc.load_gather(hbuf, [hidx + 1])
            hz = plsc.load_gather(hbuf, [hidx + 2])
            hw = plsc.load_gather(hbuf, [hidx + 3])
            s2p = xs * xs + ys * ys + zs * zs
            dot = xs * hx + ys * hy + zs * hz
            logit = av * s2p + dot + hw
            sig = 1.0 / (1.0 + jnp.exp(-logit))
            out_win[pl.ds(off, LANES)] = sig + 1e-4
            return 0
        lax.fori_loop(0, WIN // LANES, pt_body, 0)

        pltpu.sync_copy(out_win, out_hbm.at[pl.ds(base, WIN)])
        return 0
    lax.fori_loop(0, nwin, win_body, 0)


def kernel(pos, batch, W, b):
    n = pos.shape[0]
    w00 = jnp.full((LANES,), W[0, 0], jnp.float32)
    c0 = jnp.full((LANES,), W[0, 1] + b[0], jnp.float32)
    params = jnp.concatenate([w00, c0])

    xs = pos[:, 0]
    ys = pos[:, 1]
    zs = pos[:, 2]

    mesh = plsc.VectorSubcoreMesh(core_axis_name="c", subcore_axis_name="s")
    cparams = pltpu.CompilerParams(needs_layout_passes=False,
                                   use_tc_tiling_on_sc=False)

    k1 = functools.partial(
        pl.kernel,
        out_type=jax.ShapeDtypeStruct((NCORE * 4 * NSEG,), jnp.float32),
        mesh=mesh,
        compiler_params=cparams,
        scratch_types=[
            pltpu.VMEM((WIN,), jnp.float32),
            pltpu.VMEM((WIN,), jnp.float32),
            pltpu.VMEM((WIN,), jnp.float32),
            pltpu.VMEM((WIN,), jnp.int32),
            pltpu.VMEM((NSEG * LANES,), jnp.float32),
            pltpu.VMEM((4 * NSEG + 16,), jnp.float32),
            pltpu.VMEM_SHARED((NSUB, 4 * NSEG), jnp.float32),
        ],
    )(functools.partial(_phase1_body, n))
    part = k1(xs, ys, zs, batch)

    k2 = functools.partial(
        pl.kernel,
        out_type=jax.ShapeDtypeStruct((n,), jnp.float32),
        mesh=mesh,
        compiler_params=cparams,
        scratch_types=[
            pltpu.VMEM((WIN,), jnp.float32),
            pltpu.VMEM((WIN,), jnp.float32),
            pltpu.VMEM((WIN,), jnp.float32),
            pltpu.VMEM((WIN,), jnp.int32),
            pltpu.VMEM((WIN,), jnp.float32),
            pltpu.VMEM((4 * NSEG,), jnp.float32),
            pltpu.VMEM((4 * NSEG,), jnp.float32),
            pltpu.VMEM((4 * NSEG + 16,), jnp.float32),
            pltpu.VMEM((2 * LANES,), jnp.float32),
        ],
    )(functools.partial(_phase2_body, n))
    return k2(xs, ys, zs, batch, part, params)

# --- scband reference (transcript-rebuilt; emitter-appended) ---
"""Pipeline reference for scband-invariant-weight-head-79439715107061 (READ-ONLY COPY).

The authoritative reference and input builder live on the scoring server;
editing this copy changes nothing except your own understanding.
"""

import jax, jax.numpy as jnp
import numpy as np

N = 3200000
NSEG = 4096

def setup_inputs(seed: int = 0) -> dict:
    key = jax.random.key(seed)
    k1, k2, k3, k4 = jax.random.split(key, 4)
    pos = jax.random.normal(k1, (N, 3), dtype=jnp.float32)
    batch = jnp.sort(jax.random.randint(k2, (N,), 0, NSEG, dtype=jnp.int32))
    # Learned parameters of nn.Linear(2, 1)
    W = jax.random.normal(k3, (1, 2), dtype=jnp.float32) * 0.1
    b = jax.random.normal(k4, (1,), dtype=jnp.float32) * 0.1
    return {"pos": pos, "batch": batch, "W": W, "b": b}

def reference(pos, batch, W, b):
    # scatter_mean(pos, batch, dim=0)
    sums = jax.ops.segment_sum(pos, batch, num_segments=NSEG)
    counts = jax.ops.segment_sum(jnp.ones((pos.shape[0],), dtype=pos.dtype), batch, num_segments=NSEG)
    centroids = sums / jnp.maximum(counts, 1.0)[:, None]
    # gather centroids back to points
    centered = pos - centroids[batch]
    r_sq = jnp.sum(centered * centered, axis=1, keepdims=True)
    ones = jnp.ones_like(r_sq)
    feat = jnp.concatenate([r_sq, ones], axis=1)
    weights = jax.nn.sigmoid(feat @ W.T + b).squeeze(-1)
    return weights + 0.0001

if __name__ == "__main__":
    import jax
    _d = setup_inputs()
    print(jax.jit(kernel)(*tuple(_d.values())))

</pallas_src>

<mosaic_0001>
#map = affine_map<(d0, d1) -> (0)>
module attributes {stable_mosaic.version = 14 : i64} {
  func.func @_phase2_body(%arg0: i32, %arg1: i32, %arg2: memref<3200000xf32, #tpu.memory_space<hbm>>, %arg3: memref<3200000xf32, #tpu.memory_space<hbm>>, %arg4: memref<3200000xf32, #tpu.memory_space<hbm>>, %arg5: memref<3200000xi32, #tpu.memory_space<hbm>>, %arg6: memref<32768xf32, #tpu.memory_space<hbm>>, %arg7: memref<32xf32, #tpu.memory_space<hbm>>, %arg8: memref<3200000xf32, #tpu.memory_space<hbm>>, %arg9: memref<2000xf32, #tpu.memory_space<vmem>>, %arg10: memref<2000xf32, #tpu.memory_space<vmem>>, %arg11: memref<2000xf32, #tpu.memory_space<vmem>>, %arg12: memref<2000xi32, #tpu.memory_space<vmem>>, %arg13: memref<2000xf32, #tpu.memory_space<vmem>>, %arg14: memref<16384xf32, #tpu.memory_space<vmem>>, %arg15: memref<16384xf32, #tpu.memory_space<vmem>>, %arg16: memref<16400xf32, #tpu.memory_space<vmem>>, %arg17: memref<32xf32, #tpu.memory_space<vmem>>) attributes {dimension_semantics = [#tpu.dimension_semantics<core_parallel>, #tpu.dimension_semantics<subcore_parallel>], iteration_bounds = array<i64: 2, 16>, scalar_prefetch = 0 : i64, scratch_operands = 9 : i64, tpu.core_type = #tpu.core_type<sc_vector_subcore>, window_params = [{transform_indices = #map}, {transform_indices = #map}, {transform_indices = #map}, {transform_indices = #map}, {transform_indices = #map}, {transform_indices = #map}, {transform_indices = #map}]} {
    %mul3A = arith.constant 2 : i32
    %mul3A_0 = arith.muli %arg1, %mul3A : i32
    %add3A = arith.addi %mul3A_0, %arg0 : i32
    %iota3A = tpu.iota {dimensions = array<i32: 0>} : vector<16xi32>
    %and3A = arith.constant 3 : i32
    %and3A_1 = vector.broadcast %and3A : i32 to vector<16xi32>
    %and3A_2 = arith.andi %iota3A, %and3A_1 : vector<16xi32>
    %eq3A = arith.constant 3 : i32
    %eq3A_3 = vector.broadcast %eq3A : i32 to vector<16xi32>
    %eq3A_4 = arith.cmpi eq, %and3A_2, %eq3A_3 : vector<16xi32>
    %or3A = arith.constant 3 : i32
    %or3A_5 = vector.broadcast %or3A : i32 to vector<16xi32>
    %or3A_6 = arith.ori %iota3A, %or3A_5 : vector<16xi32>
    %xor3A = arith.constant 1 : i32
    %xor3A_7 = vector.broadcast %xor3A : i32 to vector<16xi32>
    %xor3A_8 = arith.xori %iota3A, %xor3A_7 : vector<16xi32>
    %xor3A_9 = arith.constant 2 : i32
    %xor3A_10 = vector.broadcast %xor3A_9 : i32 to vector<16xi32>
    %xor3A_11 = arith.xori %iota3A, %xor3A_10 : vector<16xi32>
    %xor3A_12 = arith.constant 3 : i32
    %xor3A_13 = vector.broadcast %xor3A_12 : i32 to vector<16xi32>
    %xor3A_14 = arith.xori %iota3A, %xor3A_13 : vector<16xi32>
    "tpu.region"() ({
      %run_scoped3A = tpu.sem_alloc : memref<!tpu.dma_semaphore, #tpu.memory_space<semaphore_mem>>
      %dma_start3A = arith.constant 0 : i32
      %dma_start3A_31 = tpu.memref_slice %arg6[%dma_start3A] : memref<32768xf32, #tpu.memory_space<hbm>> -> memref<16384xf32, #tpu.memory_space<hbm>>
      %dma_start3A_32 = arith.constant 0 : i32
      %dma_start3A_33 = tpu.memref_slice %arg6[%dma_start3A_32] : memref<32768xf32, #tpu.memory_space<hbm>> -> memref<16384xf32, #tpu.memory_space<hbm>>
      tpu.enqueue_dma source(%dma_start3A_33 : memref<16384xf32, #tpu.memory_space<hbm>>) target(%arg14 : memref<16384xf32, #tpu.memory_space<vmem>>) target_semaphore(%run_scoped3A : memref<!tpu.dma_semaphore, #tpu.memory_space<semaphore_mem>>)
      %dma_wait3A = arith.constant 0 : i32
      %dma_wait3A_34 = tpu.memref_slice %arg6[%dma_wait3A] : memref<32768xf32, #tpu.memory_space<hbm>> -> memref<16384xf32, #tpu.memory_space<hbm>>
      %dma_wait3A_35 = arith.constant 0 : i32
      %dma_wait3A_36 = tpu.memref_slice %arg6[%dma_wait3A_35] : memref<32768xf32, #tpu.memory_space<hbm>> -> memref<16384xf32, #tpu.memory_space<hbm>>
      tpu.wait_dma2 semaphore(%run_scoped3A : memref<!tpu.dma_semaphore, #tpu.memory_space<semaphore_mem>>) src(%dma_wait3A_36 : memref<16384xf32, #tpu.memory_space<hbm>>) dst(%arg14 : memref<16384xf32, #tpu.memory_space<vmem>>)
      tpu.yield
    }) : () -> ()
    "tpu.region"() ({
      %run_scoped3A = tpu.sem_alloc : memref<!tpu.dma_semaphore, #tpu.memory_space<semaphore_mem>>
      %dma_start3A = arith.constant 16384 : i32
      %dma_start3A_31 = tpu.memref_slice %arg6[%dma_start3A] : memref<32768xf32, #tpu.memory_space<hbm>> -> memref<16384xf32, #tpu.memory_space<hbm>>
      %dma_start3A_32 = arith.constant 16384 : i32
      %dma_start3A_33 = tpu.memref_slice %arg6[%dma_start3A_32] : memref<32768xf32, #tpu.memory_space<hbm>> -> memref<16384xf32, #tpu.memory_space<hbm>>
      tpu.enqueue_dma source(%dma_start3A_33 : memref<16384xf32, #tpu.memory_space<hbm>>) target(%arg15 : memref<16384xf32, #tpu.memory_space<vmem>>) target_semaphore(%run_scoped3A : memref<!tpu.dma_semaphore, #tpu.memory_space<semaphore_mem>>)
      %dma_wait3A = arith.constant 16384 : i32
      %dma_wait3A_34 = tpu.memref_slice %arg6[%dma_wait3A] : memref<32768xf32, #tpu.memory_space<hbm>> -> memref<16384xf32, #tpu.memory_space<hbm>>
      %dma_wait3A_35 = arith.constant 16384 : i32
      %dma_wait3A_36 = tpu.memref_slice %arg6[%dma_wait3A_35] : memref<32768xf32, #tpu.memory_space<hbm>> -> memref<16384xf32, #tpu.memory_space<hbm>>
      tpu.wait_dma2 semaphore(%run_scoped3A : memref<!tpu.dma_semaphore, #tpu.memory_space<semaphore_mem>>) src(%dma_wait3A_36 : memref<16384xf32, #tpu.memory_space<hbm>>) dst(%arg15 : memref<16384xf32, #tpu.memory_space<vmem>>)
      tpu.yield
    }) : () -> ()
    "tpu.region"() ({
      %run_scoped3A = tpu.sem_alloc : memref<!tpu.dma_semaphore, #tpu.memory_space<semaphore_mem>>
      tpu.enqueue_dma source(%arg7 : memref<32xf32, #tpu.memory_space<hbm>>) target(%arg17 : memref<32xf32, #tpu.memory_space<vmem>>) target_semaphore(%run_scoped3A : memref<!tpu.dma_semaphore, #tpu.memory_space<semaphore_mem>>)
      tpu.wait_dma2 semaphore(%run_scoped3A : memref<!tpu.dma_semaphore, #tpu.memory_space<semaphore_mem>>) src(%arg7 : memref<32xf32, #tpu.memory_space<hbm>>) dst(%arg17 : memref<32xf32, #tpu.memory_space<vmem>>)
      tpu.yield
    }) : () -> ()
    %get3A = arith.constant 0 : index
    %get3A_15 = tpu.vector_load %arg17[%get3A] {strides = array<i32>} : memref<32xf32, #tpu.memory_space<vmem>>, vector<16xf32>,
    %get3A_16 = arith.constant 16 : index
    %get3A_17 = tpu.vector_load %arg17[%get3A_16] {strides = array<i32>} : memref<32xf32, #tpu.memory_space<vmem>>, vector<16xf32>,
    %scan3A = arith.constant 0 : i32
    %scan3A_18 = arith.constant 0 : i32
    %scan3A_19 = arith.constant 1024 : i32
    %scan3A_20 = arith.addi %scan3A_18, %scan3A_19 : i32
    %scan3A_21 = arith.constant 1 : i32
    %scan3A_22 = scf.for %scan3A_31 = %scan3A_18 to %scan3A_20 step %scan3A_21 iter_args(%scan3A_32 = %scan3A) -> (i32)  : i32 {
      %mul3A_33 = arith.constant 16 : i32
      %mul3A_34 = arith.muli %scan3A_31, %mul3A_33 : i32
      %get3A_35 = arith.index_cast %mul3A_34 : i32 to index
      %get3A_36 = tpu.vector_load %arg14[%get3A_35] {strides = array<i32>} : memref<16384xf32, #tpu.memory_space<vmem>>, vector<16xf32>,
      %get3A_37 = arith.index_cast %mul3A_34 : i32 to index
      %get3A_38 = tpu.vector_load %arg15[%get3A_37] {strides = array<i32>} : memref<16384xf32, #tpu.memory_space<vmem>>, vector<16xf32>,
      %add3A_39 = arith.addf %get3A_36, %get3A_38 : vector<16xf32>
      %swap3A = arith.index_cast %mul3A_34 : i32 to index
      %swap3A_40 = tpu.vector_load %arg14[%swap3A] {strides = array<i32>} : memref<16384xf32, #tpu.memory_space<vmem>>, vector<16xf32>,
      tpu.vector_store %arg14[%swap3A], %add3A_39 {strides = array<i32>} : memref<16384xf32, #tpu.memory_space<vmem>>, vector<16xf32>,
      %add3A_41 = vector.broadcast %mul3A_34 : i32 to vector<16xi32>
      %add3A_42 = arith.addi %add3A_41, %or3A_6 : vector<16xi32>
      %gather3A = tpu.vector_load_idx %arg14[%add3A_42] : memref<16384xf32, #tpu.memory_space<vmem>>[vector<16xi32>], vector<16xf32>,
      %max3A = arith.constant 1.000000e+00 : f32
      %max3A_43 = vector.broadcast %max3A : f32 to vector<16xf32>
      %max3A_44 = arith.maximumf %gather3A, %max3A_43 : vector<16xf32>
      %div3A = arith.divf %add3A_39, %max3A_44 : vector<16xf32>
      %mul3A_45 = arith.mulf %div3A, %div3A : vector<16xf32>
      %jit3A = arith.constant 0.000000e+00 : f32
      %broadcast_in_dim3A = vector.broadcast %jit3A : f32 to vector<16xf32>
      %select_n3A = arith.select %eq3A_4, %broadcast_in_dim3A, %mul3A_45 : vector<16xi1>, vector<16xf32>
      %swap3A_46 = arith.index_cast %mul3A_34 : i32 to index
      %swap3A_47 = tpu.vector_load %arg15[%swap3A_46] {strides = array<i32>} : memref<16384xf32, #tpu.memory_space<vmem>>, vector<16xf32>,
      tpu.vector_store %arg15[%swap3A_46], %select_n3A {strides = array<i32>} : memref<16384xf32, #tpu.memory_space<vmem>>, vector<16xf32>,
      %add3A_48 = vector.broadcast %mul3A_34 : i32 to vector<16xi32>
      %add3A_49 = arith.addi %add3A_48, %xor3A_8 : vector<16xi32>
      %gather3A_50 = tpu.vector_load_idx %arg15[%add3A_49] : memref<16384xf32, #tpu.memory_space<vmem>>[vector<16xi32>], vector<16xf32>,
      %add3A_51 = arith.addf %select_n3A, %gather3A_50 : vector<16xf32>
      %add3A_52 = vector.broadcast %mul3A_34 : i32 to vector<16xi32>
      %add3A_53 = arith.addi %add3A_52, %xor3A_11 : vector<16xi32>
      %gather3A_54 = tpu.vector_load_idx %arg15[%add3A_53] : memref<16384xf32, #tpu.memory_space<vmem>>[vector<16xi32>], vector<16xf32>,
      %add3A_55 = vector.broadcast %mul3A_34 : i32 to vector<16xi32>
      %add3A_56 = arith.addi %add3A_55, %xor3A_14 : vector<16xi32>
      %gather3A_57 = tpu.vector_load_idx %arg15[%add3A_56] : memref<16384xf32, #tpu.memory_space<vmem>>[vector<16xi32>], vector<16xf32>,
      %add3A_58 = arith.addf %gather3A_54, %gather3A_57 : vector<16xf32>
      %add3A_59 = arith.addf %add3A_51, %add3A_58 : vector<16xf32>
      %mul3A_60 = arith.mulf %get3A_15, %add3A_59 : vector<16xf32>
      %add3A_61 = arith.addf %mul3A_60, %get3A_17 : vector<16xf32>
      %mul3A_62 = arith.constant -2.000000e+00 : f32
      %mul3A_63 = vector.broadcast %mul3A_62 : f32 to vector<16xf32>
      %mul3A_64 = arith.mulf %mul3A_63, %get3A_15 : vector<16xf32>
      %mul3A_65 = arith.mulf %mul3A_64, %div3A : vector<16xf32>
      %select_n3A_66 = arith.select %eq3A_4, %add3A_61, %mul3A_65 : vector<16xi1>, vector<16xf32>
      %swap3A_67 = arith.index_cast %mul3A_34 : i32 to index
      %swap3A_68 = tpu.vector_load %arg16[%swap3A_67] {strides = array<i32>} : memref<16400xf32, #tpu.memory_space<vmem>>, vector<16xf32>,
      tpu.vector_store %arg16[%swap3A_67], %select_n3A_66 {strides = array<i32>} : memref<16400xf32, #tpu.memory_space<vmem>>, vector<16xf32>,
      %scan3A_69 = arith.constant 0 : i32
      scf.yield %scan3A_69 : i32
    }
    %scan3A_23 = arith.constant 1024 : i32
    %scan3A_24 = arith.constant 0 : i32
    %scan3A_25 = arith.constant 0 : i32
    %scan3A_26 = arith.constant 50 : i32
    %scan3A_27 = arith.addi %scan3A_25, %scan3A_26 : i32
    %scan3A_28 = arith.constant 1 : i32
    %scan3A_29 = scf.for %scan3A_31 = %scan3A_25 to %scan3A_27 step %scan3A_28 iter_args(%scan3A_32 = %scan3A_24) -> (i32)  : i32 {
      %mul3A_33 = arith.constant 100000 : i32
      %mul3A_34 = arith.muli %add3A, %mul3A_33 : i32
      %mul3A_35 = arith.constant 2000 : i32
      %mul3A_36 = arith.muli %scan3A_31, %mul3A_35 : i32
      %add3A_37 = arith.addi %mul3A_34, %mul3A_36 : i32
      "tpu.region"() ({
        %run_scoped3A = tpu.sem_alloc : memref<!tpu.dma_semaphore, #tpu.memory_space<semaphore_mem>>
        %dma_start3A = tpu.memref_slice %arg2[%add3A_37] : memref<3200000xf32, #tpu.memory_space<hbm>> -> memref<2000xf32, #tpu.memory_space<hbm>>
        %dma_start3A_46 = tpu.memref_slice %arg2[%add3A_37] : memref<3200000xf32, #tpu.memory_space<hbm>> -> memref<2000xf32, #tpu.memory_space<hbm>>
        tpu.enqueue_dma source(%dma_start3A_46 : memref<2000xf32, #tpu.memory_space<hbm>>) target(%arg9 : memref<2000xf32, #tpu.memory_space<vmem>>) target_semaphore(%run_scoped3A : memref<!tpu.dma_semaphore, #tpu.memory_space<semaphore_mem>>)
        %dma_wait3A = tpu.memref_slice %arg2[%add3A_37] : memref<3200000xf32, #tpu.memory_space<hbm>> -> memref<2000xf32, #tpu.memory_space<hbm>>
        %dma_wait3A_47 = tpu.memref_slice %arg2[%add3A_37] : memref<3200000xf32, #tpu.memory_space<hbm>> -> memref<2000xf32, #tpu.memory_space<hbm>>
        tpu.wait_dma2 semaphore(%run_scoped3A : memref<!tpu.dma_semaphore, #tpu.memory_space<semaphore_mem>>) src(%dma_wait3A_47 : memref<2000xf32, #tpu.memory_space<hbm>>) dst(%arg9 : memref<2000xf32, #tpu.memory_space<vmem>>)
        tpu.yield
      }) : () -> ()
      "tpu.region"() ({
        %run_scoped3A = tpu.sem_alloc : memref<!tpu.dma_semaphore, #tpu.memory_space<semaphore_mem>>
        %dma_start3A = tpu.memref_slice %arg3[%add3A_37] : memref<3200000xf32, #tpu.memory_space<hbm>> -> memref<2000xf32, #tpu.memory_space<hbm>>
        %dma_start3A_46 = tpu.memref_slice %arg3[%add3A_37] : memref<3200000xf32, #tpu.memory_space<hbm>> -> memref<2000xf32, #tpu.memory_space<hbm>>
        tpu.enqueue_dma source(%dma_start3A_46 : memref<2000xf32, #tpu.memory_space<hbm>>) target(%arg10 : memref<2000xf32, #tpu.memory_space<vmem>>) target_semaphore(%run_scoped3A : memref<!tpu.dma_semaphore, #tpu.memory_space<semaphore_mem>>)
        %dma_wait3A = tpu.memref_slice %arg3[%add3A_37] : memref<3200000xf32, #tpu.memory_space<hbm>> -> memref<2000xf32, #tpu.memory_space<hbm>>
        %dma_wait3A_47 = tpu.memref_slice %arg3[%add3A_37] : memref<3200000xf32, #tpu.memory_space<hbm>> -> memref<2000xf32, #tpu.memory_space<hbm>>
        tpu.wait_dma2 semaphore(%run_scoped3A : memref<!tpu.dma_semaphore, #tpu.memory_space<semaphore_mem>>) src(%dma_wait3A_47 : memref<2000xf32, #tpu.memory_space<hbm>>) dst(%arg10 : memref<2000xf32, #tpu.memory_space<vmem>>)
        tpu.yield
      }) : () -> ()
      "tpu.region"() ({
        %run_scoped3A = tpu.sem_alloc : memref<!tpu.dma_semaphore, #tpu.memory_space<semaphore_mem>>
        %dma_start3A = tpu.memref_slice %arg4[%add3A_37] : memref<3200000xf32, #tpu.memory_space<hbm>> -> memref<2000xf32, #tpu.memory_space<hbm>>
        %dma_start3A_46 = tpu.memref_slice %arg4[%add3A_37] : memref<3200000xf32, #tpu.memory_space<hbm>> -> memref<2000xf32, #tpu.memory_space<hbm>>
        tpu.enqueue_dma source(%dma_start3A_46 : memref<2000xf32, #tpu.memory_space<hbm>>) target(%arg11 : memref<2000xf32, #tpu.memory_space<vmem>>) target_semaphore(%run_scoped3A : memref<!tpu.dma_semaphore, #tpu.memory_space<semaphore_mem>>)
        %dma_wait3A = tpu.memref_slice %arg4[%add3A_37] : memref<3200000xf32, #tpu.memory_space<hbm>> -> memref<2000xf32, #tpu.memory_space<hbm>>
        %dma_wait3A_47 = tpu.memref_slice %arg4[%add3A_37] : memref<3200000xf32, #tpu.memory_space<hbm>> -> memref<2000xf32, #tpu.memory_space<hbm>>
        tpu.wait_dma2 semaphore(%run_scoped3A : memref<!tpu.dma_semaphore, #tpu.memory_space<semaphore_mem>>) src(%dma_wait3A_47 : memref<2000xf32, #tpu.memory_space<hbm>>) dst(%arg11 : memref<2000xf32, #tpu.memory_space<vmem>>)
        tpu.yield
      }) : () -> ()
      "tpu.region"() ({
        %run_scoped3A = tpu.sem_alloc : memref<!tpu.dma_semaphore, #tpu.memory_space<semaphore_mem>>
        %dma_start3A = tpu.memref_slice %arg5[%add3A_37] : memref<3200000xi32, #tpu.memory_space<hbm>> -> memref<2000xi32, #tpu.memory_space<hbm>>
        %dma_start3A_46 = tpu.memref_slice %arg5[%add3A_37] : memref<3200000xi32, #tpu.memory_space<hbm>> -> memref<2000xi32, #tpu.memory_space<hbm>>
        tpu.enqueue_dma source(%dma_start3A_46 : memref<2000xi32, #tpu.memory_space<hbm>>) target(%arg12 : memref<2000xi32, #tpu.memory_space<vmem>>) target_semaphore(%run_scoped3A : memref<!tpu.dma_semaphore, #tpu.memory_space<semaphore_mem>>)
        %dma_wait3A = tpu.memref_slice %arg5[%add3A_37] : memref<3200000xi32, #tpu.memory_space<hbm>> -> memref<2000xi32, #tpu.memory_space<hbm>>
        %dma_wait3A_47 = tpu.memref_slice %arg5[%add3A_37] : memref<3200000xi32, #tpu.memory_space<hbm>> -> memref<2000xi32, #tpu.memory_space<hbm>>
        tpu.wait_dma2 semaphore(%run_scoped3A : memref<!tpu.dma_semaphore, #tpu.memory_space<semaphore_mem>>) src(%dma_wait3A_47 : memref<2000xi32, #tpu.memory_space<hbm>>) dst(%arg12 : memref<2000xi32, #tpu.memory_space<vmem>>)
        tpu.yield
      }) : () -> ()
      %scan3A_38 = arith.constant 0 : i32
      %scan3A_39 = arith.constant 0 : i32
      %scan3A_40 = arith.constant 125 : i32
      %scan3A_41 = arith.addi %scan3A_39, %scan3A_40 : i32
      %scan3A_42 = arith.constant 1 : i32
      %scan3A_43 = scf.for %scan3A_46 = %scan3A_39 to %scan3A_41 step %scan3A_42 iter_args(%scan3A_47 = %scan3A_38) -> (i32)  : i32 {
        %mul3A_48 = arith.constant 16 : i32
        %mul3A_49 = arith.muli %scan3A_46, %mul3A_48 : i32
        %get3A_50 = arith.index_cast %mul3A_49 : i32 to index
        %get3A_51 = tpu.vector_load %arg12[%get3A_50] {strides = array<i32>} : memref<2000xi32, #tpu.memory_space<vmem>>, vector<16xi32>,
        %get3A_52 = arith.index_cast %mul3A_49 : i32 to index
        %get3A_53 = tpu.vector_load %arg9[%get3A_52] {strides = array<i32>} : memref<2000xf32, #tpu.memory_space<vmem>>, vector<16xf32>,
        %get3A_54 = arith.index_cast %mul3A_49 : i32 to index
        %get3A_55 = tpu.vector_load %arg10[%get3A_54] {strides = array<i32>} : memref<2000xf32, #tpu.memory_space<vmem>>, vector<16xf32>,
        %get3A_56 = arith.index_cast %mul3A_49 : i32 to index
        %get3A_57 = tpu.vector_load %arg11[%get3A_56] {strides = array<i32>} : memref<2000xf32, #tpu.memory_space<vmem>>, vector<16xf32>,
        %mul3A_58 = arith.constant 4 : i32
        %mul3A_59 = vector.broadcast %mul3A_58 : i32 to vector<16xi32>
        %mul3A_60 = arith.muli %get3A_51, %mul3A_59 : vector<16xi32>
        %gather3A = tpu.vector_load_idx %arg16[%mul3A_60] : memref<16400xf32, #tpu.memory_space<vmem>>[vector<16xi32>], vector<16xf32>,
        %add3A_61 = arith.constant 1 : i32
        %add3A_62 = vector.broadcast %add3A_61 : i32 to vector<16xi32>
        %add3A_63 = arith.addi %mul3A_60, %add3A_62 : vector<16xi32>
        %gather3A_64 = tpu.vector_load_idx %arg16[%add3A_63] : memref<16400xf32, #tpu.memory_space<vmem>>[vector<16xi32>], vector<16xf32>,
        %add3A_65 = arith.constant 2 : i32
        %add3A_66 = vector.broadcast %add3A_65 : i32 to vector<16xi32>
        %add3A_67 = arith.addi %mul3A_60, %add3A_66 : vector<16xi32>
        %gather3A_68 = tpu.vector_load_idx %arg16[%add3A_67] : memref<16400xf32, #tpu.memory_space<vmem>>[vector<16xi32>], vector<16xf32>,
        %add3A_69 = arith.constant 3 : i32
        %add3A_70 = vector.broadcast %add3A_69 : i32 to vector<16xi32>
        %add3A_71 = arith.addi %mul3A_60, %add3A_70 : vector<16xi32>
        %gather3A_72 = tpu.vector_load_idx %arg16[%add3A_71] : memref<16400xf32, #tpu.memory_space<vmem>>[vector<16xi32>], vector<16xf32>,
        %mul3A_73 = arith.mulf %get3A_53, %get3A_53 : vector<16xf32>
        %mul3A_74 = arith.mulf %get3A_55, %get3A_55 : vector<16xf32>
        %add3A_75 = arith.addf %mul3A_73, %mul3A_74 : vector<16xf32>
        %mul3A_76 = arith.mulf %get3A_57, %get3A_57 : vector<16xf32>
        %add3A_77 = arith.addf %add3A_75, %mul3A_76 : vector<16xf32>
        %mul3A_78 = arith.mulf %get3A_53, %gather3A : vector<16xf32>
        %mul3A_79 = arith.mulf %get3A_55, %gather3A_64 : vector<16xf32>
        %add3A_80 = arith.addf %mul3A_78, %mul3A_79 : vector<16xf32>
        %mul3A_81 = arith.mulf %get3A_57, %gather3A_68 : vector<16xf32>
        %add3A_82 = arith.addf %add3A_80, %mul3A_81 : vector<16xf32>
        %mul3A_83 = arith.mulf %get3A_15, %add3A_77 : vector<16xf32>
        %add3A_84 = arith.addf %mul3A_83, %add3A_82 : vector<16xf32>
        %add3A_85 = arith.addf %add3A_84, %gather3A_72 : vector<16xf32>
        %neg3A = arith.constant 0.000000e+00 : f32
        %neg3A_86 = vector.broadcast %neg3A : f32 to vector<16xf32>
        %neg3A_87 = arith.subf %neg3A_86, %add3A_85 : vector<16xf32>
        %exp3A = math.exp %neg3A_87 : vector<16xf32>
        %add3A_88 = arith.constant 1.000000e+00 : f32
        %add3A_89 = vector.broadcast %add3A_88 : f32 to vector<16xf32>
        %add3A_90 = arith.addf %add3A_89, %exp3A : vector<16xf32>
        %div3A = arith.constant 1.000000e+00 : f32
        %div3A_91 = vector.broadcast %div3A : f32 to vector<16xf32>
        %div3A_92 = arith.divf %div3A_91, %add3A_90 : vector<16xf32>
        %add3A_93 = arith.constant 9.99999974E-5 : f32
        %add3A_94 = vector.broadcast %add3A_93 : f32 to vector<16xf32>
        %add3A_95 = arith.addf %div3A_92, %add3A_94 : vector<16xf32>
        %swap3A = arith.index_cast %mul3A_49 : i32 to index
        %swap3A_96 = tpu.vector_load %arg13[%swap3A] {strides = array<i32>} : memref<2000xf32, #tpu.memory_space<vmem>>, vector<16xf32>,
        tpu.vector_store %arg13[%swap3A], %add3A_95 {strides = array<i32>} : memref<2000xf32, #tpu.memory_space<vmem>>, vector<16xf32>,
        %scan3A_97 = arith.constant 0 : i32
        scf.yield %scan3A_97 : i32
      }
      %scan3A_44 = arith.constant 125 : i32
      "tpu.region"() ({
        %run_scoped3A = tpu.sem_alloc : memref<!tpu.dma_semaphore, #tpu.memory_space<semaphore_mem>>
        %dma_start3A = tpu.memref_slice %arg8[%add3A_37] : memref<3200000xf32, #tpu.memory_space<hbm>> -> memref<2000xf32, #tpu.memory_space<hbm>>
        %dma_start3A_46 = tpu.memref_slice %arg8[%add3A_37] : memref<3200000xf32, #tpu.memory_space<hbm>> -> memref<2000xf32, #tpu.memory_space<hbm>>
        tpu.enqueue_dma source(%arg13 : memref<2000xf32, #tpu.memory_space<vmem>>) target(%dma_start3A_46 : memref<2000xf32, #tpu.memory_space<hbm>>) target_semaphore(%run_scoped3A : memref<!tpu.dma_semaphore, #tpu.memory_space<semaphore_mem>>)
        %dma_wait3A = tpu.memref_slice %arg8[%add3A_37] : memref<3200000xf32, #tpu.memory_space<hbm>> -> memref<2000xf32, #tpu.memory_space<hbm>>
        %dma_wait3A_47 = tpu.memref_slice %arg8[%add3A_37] : memref<3200000xf32, #tpu.memory_space<hbm>> -> memref<2000xf32, #tpu.memory_space<hbm>>
        tpu.wait_dma2 semaphore(%run_scoped3A : memref<!tpu.dma_semaphore, #tpu.memory_space<semaphore_mem>>) src(%arg13 : memref<2000xf32, #tpu.memory_space<vmem>>) dst(%dma_wait3A_47 : memref<2000xf32, #tpu.memory_space<hbm>>)
        tpu.yield
      }) : () -> ()
      %scan3A_45 = arith.constant 0 : i32
      scf.yield %scan3A_45 : i32
    }
    %scan3A_30 = arith.constant 50 : i32
    return
  }
}

#map = affine_map<(d0, d1) -> (0)>
module attributes {stable_mosaic.version = 14 : i64} {
  func.func @_phase1_body(%arg0: i32, %arg1: i32, %arg2: memref<3200000xf32, #tpu.memory_space<hbm>>, %arg3: memref<3200000xf32, #tpu.memory_space<hbm>>, %arg4: memref<3200000xf32, #tpu.memory_space<hbm>>, %arg5: memref<3200000xi32, #tpu.memory_space<hbm>>, %arg6: memref<32768xf32, #tpu.memory_space<hbm>>, %arg7: memref<2000xf32, #tpu.memory_space<vmem>>, %arg8: memref<2000xf32, #tpu.memory_space<vmem>>, %arg9: memref<2000xf32, #tpu.memory_space<vmem>>, %arg10: memref<2000xi32, #tpu.memory_space<vmem>>, %arg11: memref<65536xf32, #tpu.memory_space<vmem>>, %arg12: memref<16400xf32, #tpu.memory_space<vmem>>, %arg13: memref<16x16384xf32, #tpu.memory_space<vmem_shared>>) attributes {dimension_semantics = [#tpu.dimension_semantics<core_parallel>, #tpu.dimension_semantics<subcore_parallel>], iteration_bounds = array<i64: 2, 16>, scalar_prefetch = 0 : i64, scratch_operands = 7 : i64, tpu.core_type = #tpu.core_type<sc_vector_subcore>, window_params = [{transform_indices = #map}, {transform_indices = #map}, {transform_indices = #map}, {transform_indices = #map}, {transform_indices = #map}]} {
    %mul3A = arith.constant 2 : i32
    %mul3A_0 = arith.muli %arg1, %mul3A : i32
    %add3A = arith.addi %mul3A_0, %arg0 : i32
    %iota3A = tpu.iota {dimensions = array<i32: 0>} : vector<16xi32>
    %shift_right_logical3A = arith.constant 2 : i32
    %shift_right_logical3A_1 = vector.broadcast %shift_right_logical3A : i32 to vector<16xi32>
    %shift_right_logical3A_2 = arith.shrui %iota3A, %shift_right_logical3A_1 : vector<16xi32>
    %and3A = arith.constant 3 : i32
    %and3A_3 = vector.broadcast %and3A : i32 to vector<16xi32>
    %and3A_4 = arith.andi %iota3A, %and3A_3 : vector<16xi32>
    %broadcast_in_dim3A = arith.constant 0.000000e+00 : f32
    %broadcast_in_dim3A_5 = vector.broadcast %broadcast_in_dim3A : f32 to vector<16xf32>
    %scan3A = arith.constant 0 : i32
    %scan3A_6 = arith.constant 0 : i32
    %scan3A_7 = arith.constant 4096 : i32
    %scan3A_8 = arith.addi %scan3A_6, %scan3A_7 : i32
    %scan3A_9 = arith.constant 1 : i32
    %scan3A_10 = scf.for %scan3A_97 = %scan3A_6 to %scan3A_8 step %scan3A_9 iter_args(%scan3A_98 = %scan3A) -> (i32)  : i32 {
      %mul3A_99 = arith.constant 16 : i32
      %mul3A_100 = arith.muli %scan3A_97, %mul3A_99 : i32
      %swap3A = arith.index_cast %mul3A_100 : i32 to index
      %swap3A_101 = tpu.vector_load %arg11[%swap3A] {strides = array<i32>} : memref<65536xf32, #tpu.memory_space<vmem>>, vector<16xf32>,
      tpu.vector_store %arg11[%swap3A], %broadcast_in_dim3A_5 {strides = array<i32>} : memref<65536xf32, #tpu.memory_space<vmem>>, vector<16xf32>,
      %scan3A_102 = arith.constant 0 : i32
      scf.yield %scan3A_102 : i32
    }
    %scan3A_11 = arith.constant 4096 : i32
    %scan3A_12 = arith.constant 0 : i32
    %scan3A_13 = arith.constant 0 : i32
    %scan3A_14 = arith.constant 50 : i32
    %scan3A_15 = arith.addi %scan3A_13, %scan3A_14 : i32
    %scan3A_16 = arith.constant 1 : i32
    %scan3A_17 = scf.for %scan3A_97 = %scan3A_13 to %scan3A_15 step %scan3A_16 iter_args(%scan3A_98 = %scan3A_12) -> (i32)  : i32 {
      %mul3A_99 = arith.constant 100000 : i32
      %mul3A_100 = arith.muli %add3A, %mul3A_99 : i32
      %mul3A_101 = arith.constant 2000 : i32
      %mul3A_102 = arith.muli %scan3A_97, %mul3A_101 : i32
      %add3A_103 = arith.addi %mul3A_100, %mul3A_102 : i32
      "tpu.region"() ({
        %run_scoped3A_112 = tpu.sem_alloc : memref<!tpu.dma_semaphore, #tpu.memory_space<semaphore_mem>>
        %dma_start3A = tpu.memref_slice %arg2[%add3A_103] : memref<3200000xf32, #tpu.memory_space<hbm>> -> memref<2000xf32, #tpu.memory_space<hbm>>
        %dma_start3A_113 = tpu.memref_slice %arg2[%add3A_103] : memref<3200000xf32, #tpu.memory_space<hbm>> -> memref<2000xf32, #tpu.memory_space<hbm>>
        tpu.enqueue_dma source(%dma_start3A_113 : memref<2000xf32, #tpu.memory_space<hbm>>) target(%arg7 : memref<2000xf32, #tpu.memory_space<vmem>>) target_semaphore(%run_scoped3A_112 : memref<!tpu.dma_semaphore, #tpu.memory_space<semaphore_mem>>)
        %dma_wait3A = tpu.memref_slice %arg2[%add3A_103] : memref<3200000xf32, #tpu.memory_space<hbm>> -> memref<2000xf32, #tpu.memory_space<hbm>>
        %dma_wait3A_114 = tpu.memref_slice %arg2[%add3A_103] : memref<3200000xf32, #tpu.memory_space<hbm>> -> memref<2000xf32, #tpu.memory_space<hbm>>
        tpu.wait_dma2 semaphore(%run_scoped3A_112 : memref<!tpu.dma_semaphore, #tpu.memory_space<semaphore_mem>>) src(%dma_wait3A_114 : memref<2000xf32, #tpu.memory_space<hbm>>) dst(%arg7 : memref<2000xf32, #tpu.memory_space<vmem>>)
        tpu.yield
      }) : () -> ()
      "tpu.region"() ({
        %run_scoped3A_112 = tpu.sem_alloc : memref<!tpu.dma_semaphore, #tpu.memory_space<semaphore_mem>>
        %dma_start3A = tpu.memref_slice %arg3[%add3A_103] : memref<3200000xf32, #tpu.memory_space<hbm>> -> memref<2000xf32, #tpu.memory_space<hbm>>
        %dma_start3A_113 = tpu.memref_slice %arg3[%add3A_103] : memref<3200000xf32, #tpu.memory_space<hbm>> -> memref<2000xf32, #tpu.memory_space<hbm>>
        tpu.enqueue_dma source(%dma_start3A_113 : memref<2000xf32, #tpu.memory_space<hbm>>) target(%arg8 : memref<2000xf32, #tpu.memory_space<vmem>>) target_semaphore(%run_scoped3A_112 : memref<!tpu.dma_semaphore, #tpu.memory_space<semaphore_mem>>)
        %dma_wait3A = tpu.memref_slice %arg3[%add3A_103] : memref<3200000xf32, #tpu.memory_space<hbm>> -> memref<2000xf32, #tpu.memory_space<hbm>>
        %dma_wait3A_114 = tpu.memref_slice %arg3[%add3A_103] : memref<3200000xf32, #tpu.memory_space<hbm>> -> memref<2000xf32, #tpu.memory_space<hbm>>
        tpu.wait_dma2 semaphore(%run_scoped3A_112 : memref<!tpu.dma_semaphore, #tpu.memory_space<semaphore_mem>>) src(%dma_wait3A_114 : memref<2000xf32, #tpu.memory_space<hbm>>) dst(%arg8 : memref<2000xf32, #tpu.memory_space<vmem>>)
        tpu.yield
      }) : () -> ()
      "tpu.region"() ({
        %run_scoped3A_112 = tpu.sem_alloc : memref<!tpu.dma_semaphore, #tpu.memory_space<semaphore_mem>>
        %dma_start3A = tpu.memref_slice %arg4[%add3A_103] : memref<3200000xf32, #tpu.memory_space<hbm>> -> memref<2000xf32, #tpu.memory_space<hbm>>
        %dma_start3A_113 = tpu.memref_slice %arg4[%add3A_103] : memref<3200000xf32, #tpu.memory_space<hbm>> -> memref<2000xf32, #tpu.memory_space<hbm>>
        tpu.enqueue_dma source(%dma_start3A_113 : memref<2000xf32, #tpu.memory_space<hbm>>) target(%arg9 : memref<2000xf32, #tpu.memory_space<vmem>>) target_semaphore(%run_scoped3A_112 : memref<!tpu.dma_semaphore, #tpu.memory_space<semaphore_mem>>)
        %dma_wait3A = tpu.memref_slice %arg4[%add3A_103] : memref<3200000xf32, #tpu.memory_space<hbm>> -> memref<2000xf32, #tpu.memory_space<hbm>>
        %dma_wait3A_114 = tpu.memref_slice %arg4[%add3A_103] : memref<3200000xf32, #tpu.memory_space<hbm>> -> memref<2000xf32, #tpu.memory_space<hbm>>
        tpu.wait_dma2 semaphore(%run_scoped3A_112 : memref<!tpu.dma_semaphore, #tpu.memory_space<semaphore_mem>>) src(%dma_wait3A_114 : memref<2000xf32, #tpu.memory_space<hbm>>) dst(%arg9 : memref<2000xf32, #tpu.memory_space<vmem>>)
        tpu.yield
      }) : () -> ()
      "tpu.region"() ({
        %run_scoped3A_112 = tpu.sem_alloc : memref<!tpu.dma_semaphore, #tpu.memory_space<semaphore_mem>>
        %dma_start3A = tpu.memref_slice %arg5[%add3A_103] : memref<3200000xi32, #tpu.memory_space<hbm>> -> memref<2000xi32, #tpu.memory_space<hbm>>
        %dma_start3A_113 = tpu.memref_slice %arg5[%add3A_103] : memref<3200000xi32, #tpu.memory_space<hbm>> -> memref<2000xi32, #tpu.memory_space<hbm>>
        tpu.enqueue_dma source(%dma_start3A_113 : memref<2000xi32, #tpu.memory_space<hbm>>) target(%arg10 : memref<2000xi32, #tpu.memory_space<vmem>>) target_semaphore(%run_scoped3A_112 : memref<!tpu.dma_semaphore, #tpu.memory_space<semaphore_mem>>)
        %dma_wait3A = tpu.memref_slice %arg5[%add3A_103] : memref<3200000xi32, #tpu.memory_space<hbm>> -> memref<2000xi32, #tpu.memory_space<hbm>>
        %dma_wait3A_114 = tpu.memref_slice %arg5[%add3A_103] : memref<3200000xi32, #tpu.memory_space<hbm>> -> memref<2000xi32, #tpu.memory_space<hbm>>
        tpu.wait_dma2 semaphore(%run_scoped3A_112 : memref<!tpu.dma_semaphore, #tpu.memory_space<semaphore_mem>>) src(%dma_wait3A_114 : memref<2000xi32, #tpu.memory_space<hbm>>) dst(%arg10 : memref<2000xi32, #tpu.memory_space<vmem>>)
        tpu.yield
      }) : () -> ()
      %scan3A_104 = arith.constant 0 : i32
      %scan3A_105 = arith.constant 0 : i32
      %scan3A_106 = arith.constant 125 : i32
      %scan3A_107 = arith.addi %scan3A_105, %scan3A_106 : i32
      %scan3A_108 = arith.constant 1 : i32
      %scan3A_109 = scf.for %scan3A_112 = %scan3A_105 to %scan3A_107 step %scan3A_108 iter_args(%scan3A_113 = %scan3A_104) -> (i32)  : i32 {
        %mul3A_114 = arith.constant 4 : i32
        %mul3A_115 = arith.muli %scan3A_112, %mul3A_114 : i32
        %add3A_116 = arith.constant 0 : i32
        %add3A_117 = arith.addi %mul3A_115, %add3A_116 : i32
        %mul3A_118 = arith.constant 4 : i32
        %mul3A_119 = arith.muli %mul3A_118, %add3A_117 : i32
        %add3A_120 = vector.broadcast %mul3A_119 : i32 to vector<16xi32>
        %add3A_121 = arith.addi %shift_right_logical3A_2, %add3A_120 : vector<16xi32>
        %gather3A = tpu.vector_load_idx %arg10[%add3A_121] : memref<2000xi32, #tpu.memory_space<vmem>>[vector<16xi32>], vector<16xi32>,
        %mul3A_122 = arith.constant 16 : i32
        %mul3A_123 = vector.broadcast %mul3A_122 : i32 to vector<16xi32>
        %mul3A_124 = arith.muli %gather3A, %mul3A_123 : vector<16xi32>
        %add3A_125 = arith.addi %mul3A_124, %iota3A : vector<16xi32>
        %gather3A_126 = tpu.vector_load_idx %arg7[%add3A_121] : memref<2000xf32, #tpu.memory_space<vmem>>[vector<16xi32>], vector<16xf32>,
        %gather3A_127 = tpu.vector_load_idx %arg8[%add3A_121] : memref<2000xf32, #tpu.memory_space<vmem>>[vector<16xi32>], vector<16xf32>,
        %gather3A_128 = tpu.vector_load_idx %arg9[%add3A_121] : memref<2000xf32, #tpu.memory_space<vmem>>[vector<16xi32>], vector<16xf32>,
        %eq3A = arith.constant 0 : i32
        %eq3A_129 = vector.broadcast %eq3A : i32 to vector<16xi32>
        %eq3A_130 = arith.cmpi eq, %and3A_4, %eq3A_129 : vector<16xi32>
        %eq3A_131 = arith.constant 1 : i32
        %eq3A_132 = vector.broadcast %eq3A_131 : i32 to vector<16xi32>
        %eq3A_133 = arith.cmpi eq, %and3A_4, %eq3A_132 : vector<16xi32>
        %eq3A_134 = arith.constant 2 : i32
        %eq3A_135 = vector.broadcast %eq3A_134 : i32 to vector<16xi32>
        %eq3A_136 = arith.cmpi eq, %and3A_4, %eq3A_135 : vector<16xi32>
        %jit3A = arith.constant 1.000000e+00 : f32
        %broadcast_in_dim3A_137 = vector.broadcast %jit3A : f32 to vector<16xf32>
        %select_n3A = arith.select %eq3A_136, %gather3A_128, %broadcast_in_dim3A_137 : vector<16xi1>, vector<16xf32>
        %select_n3A_138 = arith.select %eq3A_133, %gather3A_127, %select_n3A : vector<16xi1>, vector<16xf32>
        %select_n3A_139 = arith.select %eq3A_130, %gather3A_126, %select_n3A_138 : vector<16xi1>, vector<16xf32>
        tpu.vector_store_idx %arg11[%add3A_125], %select_n3A_139 {add = true} : memref<65536xf32, #tpu.memory_space<vmem>>[vector<16xi32>], vector<16xf32>,
        %mul3A_140 = arith.constant 4 : i32
        %mul3A_141 = arith.muli %scan3A_112, %mul3A_140 : i32
        %add3A_142 = arith.constant 1 : i32
        %add3A_143 = arith.addi %mul3A_141, %add3A_142 : i32
        %mul3A_144 = arith.constant 4 : i32
        %mul3A_145 = arith.muli %mul3A_144, %add3A_143 : i32
        %add3A_146 = vector.broadcast %mul3A_145 : i32 to vector<16xi32>
        %add3A_147 = arith.addi %shift_right_logical3A_2, %add3A_146 : vector<16xi32>
        %gather3A_148 = tpu.vector_load_idx %arg10[%add3A_147] : memref<2000xi32, #tpu.memory_space<vmem>>[vector<16xi32>], vector<16xi32>,
        %mul3A_149 = arith.constant 16 : i32
        %mul3A_150 = vector.broadcast %mul3A_149 : i32 to vector<16xi32>
        %mul3A_151 = arith.muli %gather3A_148, %mul3A_150 : vector<16xi32>
        %add3A_152 = arith.addi %mul3A_151, %iota3A : vector<16xi32>
        %gather3A_153 = tpu.vector_load_idx %arg7[%add3A_147] : memref<2000xf32, #tpu.memory_space<vmem>>[vector<16xi32>], vector<16xf32>,
        %gather3A_154 = tpu.vector_load_idx %arg8[%add3A_147] : memref<2000xf32, #tpu.memory_space<vmem>>[vector<16xi32>], vector<16xf32>,
        %gather3A_155 = tpu.vector_load_idx %arg9[%add3A_147] : memref<2000xf32, #tpu.memory_space<vmem>>[vector<16xi32>], vector<16xf32>,
        %eq3A_156 = arith.constant 0 : i32
        %eq3A_157 = vector.broadcast %eq3A_156 : i32 to vector<16xi32>
        %eq3A_158 = arith.cmpi eq, %and3A_4, %eq3A_157 : vector<16xi32>
        %eq3A_159 = arith.constant 1 : i32
        %eq3A_160 = vector.broadcast %eq3A_159 : i32 to vector<16xi32>
        %eq3A_161 = arith.cmpi eq, %and3A_4, %eq3A_160 : vector<16xi32>
        %eq3A_162 = arith.constant 2 : i32
        %eq3A_163 = vector.broadcast %eq3A_162 : i32 to vector<16xi32>
        %eq3A_164 = arith.cmpi eq, %and3A_4, %eq3A_163 : vector<16xi32>
        %jit3A_165 = arith.constant 1.000000e+00 : f32
        %broadcast_in_dim3A_166 = vector.broadcast %jit3A_165 : f32 to vector<16xf32>
        %select_n3A_167 = arith.select %eq3A_164, %gather3A_155, %broadcast_in_dim3A_166 : vector<16xi1>, vector<16xf32>
        %select_n3A_168 = arith.select %eq3A_161, %gather3A_154, %select_n3A_167 : vector<16xi1>, vector<16xf32>
        %select_n3A_169 = arith.select %eq3A_158, %gather3A_153, %select_n3A_168 : vector<16xi1>, vector<16xf32>
        tpu.vector_store_idx %arg11[%add3A_152], %select_n3A_169 {add = true} : memref<65536xf32, #tpu.memory_space<vmem>>[vector<16xi32>], vector<16xf32>,
        %mul3A_170 = arith.constant 4 : i32
        %mul3A_171 = arith.muli %scan3A_112, %mul3A_170 : i32
        %add3A_172 = arith.constant 2 : i32
        %add3A_173 = arith.addi %mul3A_171, %add3A_172 : i32
        %mul3A_174 = arith.constant 4 : i32
        %mul3A_175 = arith.muli %mul3A_174, %add3A_173 : i32
        %add3A_176 = vector.broadcast %mul3A_175 : i32 to vector<16xi32>
        %add3A_177 = arith.addi %shift_right_logical3A_2, %add3A_176 : vector<16xi32>
        %gather3A_178 = tpu.vector_load_idx %arg10[%add3A_177] : memref<2000xi32, #tpu.memory_space<vmem>>[vector<16xi32>], vector<16xi32>,
        %mul3A_179 = arith.constant 16 : i32
        %mul3A_180 = vector.broadcast %mul3A_179 : i32 to vector<16xi32>
        %mul3A_181 = arith.muli %gather3A_178, %mul3A_180 : vector<16xi32>
        %add3A_182 = arith.addi %mul3A_181, %iota3A : vector<16xi32>
        %gather3A_183 = tpu.vector_load_idx %arg7[%add3A_177] : memref<2000xf32, #tpu.memory_space<vmem>>[vector<16xi32>], vector<16xf32>,
        %gather3A_184 = tpu.vector_load_idx %arg8[%add3A_177] : memref<2000xf32, #tpu.memory_space<vmem>>[vector<16xi32>], vector<16xf32>,
        %gather3A_185 = tpu.vector_load_idx %arg9[%add3A_177] : memref<2000xf32, #tpu.memory_space<vmem>>[vector<16xi32>], vector<16xf32>,
        %eq3A_186 = arith.constant 0 : i32
        %eq3A_187 = vector.broadcast %eq3A_186 : i32 to vector<16xi32>
        %eq3A_188 = arith.cmpi eq, %and3A_4, %eq3A_187 : vector<16xi32>
        %eq3A_189 = arith.constant 1 : i32
        %eq3A_190 = vector.broadcast %eq3A_189 : i32 to vector<16xi32>
        %eq3A_191 = arith.cmpi eq, %and3A_4, %eq3A_190 : vector<16xi32>
        %eq3A_192 = arith.constant 2 : i32
        %eq3A_193 = vector.broadcast %eq3A_192 : i32 to vector<16xi32>
        %eq3A_194 = arith.cmpi eq, %and3A_4, %eq3A_193 : vector<16xi32>
        %jit3A_195 = arith.constant 1.000000e+00 : f32
        %broadcast_in_dim3A_196 = vector.broadcast %jit3A_195 : f32 to vector<16xf32>
        %select_n3A_197 = arith.select %eq3A_194, %gather3A_185, %broadcast_in_dim3A_196 : vector<16xi1>, vector<16xf32>
        %select_n3A_198 = arith.select %eq3A_191, %gather3A_184, %select_n3A_197 : vector<16xi1>, vector<16xf32>
        %select_n3A_199 = arith.select %eq3A_188, %gather3A_183, %select_n3A_198 : vector<16xi1>, vector<16xf32>
        tpu.vector_store_idx %arg11[%add3A_182], %select_n3A_199 {add = true} : memref<65536xf32, #tpu.memory_space<vmem>>[vector<16xi32>], vector<16xf32>,
        %mul3A_200 = arith.constant 4 : i32
        %mul3A_201 = arith.muli %scan3A_112, %mul3A_200 : i32
        %add3A_202 = arith.constant 3 : i32
        %add3A_203 = arith.addi %mul3A_201, %add3A_202 : i32
        %mul3A_204 = arith.constant 4 : i32
        %mul3A_205 = arith.muli %mul3A_204, %add3A_203 : i32
        %add3A_206 = vector.broadcast %mul3A_205 : i32 to vector<16xi32>
        %add3A_207 = arith.addi %shift_right_logical3A_2, %add3A_206 : vector<16xi32>
        %gather3A_208 = tpu.vector_load_idx %arg10[%add3A_207] : memref<2000xi32, #tpu.memory_space<vmem>>[vector<16xi32>], vector<16xi32>,
        %mul3A_209 = arith.constant 16 : i32
        %mul3A_210 = vector.broadcast %mul3A_209 : i32 to vector<16xi32>
        %mul3A_211 = arith.muli %gather3A_208, %mul3A_210 : vector<16xi32>
        %add3A_212 = arith.addi %mul3A_211, %iota3A : vector<16xi32>
        %gather3A_213 = tpu.vector_load_idx %arg7[%add3A_207] : memref<2000xf32, #tpu.memory_space<vmem>>[vector<16xi32>], vector<16xf32>,
        %gather3A_214 = tpu.vector_load_idx %arg8[%add3A_207] : memref<2000xf32, #tpu.memory_space<vmem>>[vector<16xi32>], vector<16xf32>,
        %gather3A_215 = tpu.vector_load_idx %arg9[%add3A_207] : memref<2000xf32, #tpu.memory_space<vmem>>[vector<16xi32>], vector<16xf32>,
        %eq3A_216 = arith.constant 0 : i32
        %eq3A_217 = vector.broadcast %eq3A_216 : i32 to vector<16xi32>
        %eq3A_218 = arith.cmpi eq, %and3A_4, %eq3A_217 : vector<16xi32>
        %eq3A_219 = arith.constant 1 : i32
        %eq3A_220 = vector.broadcast %eq3A_219 : i32 to vector<16xi32>
        %eq3A_221 = arith.cmpi eq, %and3A_4, %eq3A_220 : vector<16xi32>
        %eq3A_222 = arith.constant 2 : i32
        %eq3A_223 = vector.broadcast %eq3A_222 : i32 to vector<16xi32>
        %eq3A_224 = arith.cmpi eq, %and3A_4, %eq3A_223 : vector<16xi32>
        %jit3A_225 = arith.constant 1.000000e+00 : f32
        %broadcast_in_dim3A_226 = vector.broadcast %jit3A_225 : f32 to vector<16xf32>
        %select_n3A_227 = arith.select %eq3A_224, %gather3A_215, %broadcast_in_dim3A_226 : vector<16xi1>, vector<16xf32>
        %select_n3A_228 = arith.select %eq3A_221, %gather3A_214, %select_n3A_227 : vector<16xi1>, vector<16xf32>
        %select_n3A_229 = arith.select %eq3A_218, %gather3A_213, %select_n3A_228 : vector<16xi1>, vector<16xf32>
        tpu.vector_store_idx %arg11[%add3A_212], %select_n3A_229 {add = true} : memref<65536xf32, #tpu.memory_space<vmem>>[vector<16xi32>], vector<16xf32>,
        %scan3A_230 = arith.constant 0 : i32
        scf.yield %scan3A_230 : i32
      }
      %scan3A_110 = arith.constant 125 : i32
      %scan3A_111 = arith.constant 0 : i32
      scf.yield %scan3A_111 : i32
    }
    %scan3A_18 = arith.constant 50 : i32
    %xor3A = arith.constant 8 : i32
    %xor3A_19 = vector.broadcast %xor3A : i32 to vector<16xi32>
    %xor3A_20 = arith.xori %iota3A, %xor3A_19 : vector<16xi32>
    %xor3A_21 = arith.constant 4 : i32
    %xor3A_22 = vector.broadcast %xor3A_21 : i32 to vector<16xi32>
    %xor3A_23 = arith.xori %iota3A, %xor3A_22 : vector<16xi32>
    %xor3A_24 = arith.constant 12 : i32
    %xor3A_25 = vector.broadcast %xor3A_24 : i32 to vector<16xi32>
    %xor3A_26 = arith.xori %iota3A, %xor3A_25 : vector<16xi32>
    %lt3A = arith.constant 4 : i32
    %lt3A_27 = vector.broadcast %lt3A : i32 to vector<16xi32>
    %lt3A_28 = arith.cmpi slt, %iota3A, %lt3A_27 : vector<16xi32>
    %scan3A_29 = arith.constant 0 : i32
    %scan3A_30 = arith.constant 0 : i32
    %scan3A_31 = arith.constant 4096 : i32
    %scan3A_32 = arith.addi %scan3A_30, %scan3A_31 : i32
    %scan3A_33 = arith.constant 1 : i32
    %scan3A_34 = scf.for %scan3A_97 = %scan3A_30 to %scan3A_32 step %scan3A_33 iter_args(%scan3A_98 = %scan3A_29) -> (i32)  : i32 {
      %mul3A_99 = arith.constant 16 : i32
      %mul3A_100 = arith.muli %scan3A_97, %mul3A_99 : i32
      %get3A = arith.index_cast %mul3A_100 : i32 to index
      %get3A_101 = tpu.vector_load %arg11[%get3A] {strides = array<i32>} : memref<65536xf32, #tpu.memory_space<vmem>>, vector<16xf32>,
      %add3A_102 = vector.broadcast %mul3A_100 : i32 to vector<16xi32>
      %add3A_103 = arith.addi %add3A_102, %xor3A_20 : vector<16xi32>
      %gather3A = tpu.vector_load_idx %arg11[%add3A_103] : memref<65536xf32, #tpu.memory_space<vmem>>[vector<16xi32>], vector<16xf32>,
      %add3A_104 = vector.broadcast %mul3A_100 : i32 to vector<16xi32>
      %add3A_105 = arith.addi %add3A_104, %xor3A_23 : vector<16xi32>
      %gather3A_106 = tpu.vector_load_idx %arg11[%add3A_105] : memref<65536xf32, #tpu.memory_space<vmem>>[vector<16xi32>], vector<16xf32>,
      %add3A_107 = vector.broadcast %mul3A_100 : i32 to vector<16xi32>
      %add3A_108 = arith.addi %add3A_107, %xor3A_26 : vector<16xi32>
      %gather3A_109 = tpu.vector_load_idx %arg11[%add3A_108] : memref<65536xf32, #tpu.memory_space<vmem>>[vector<16xi32>], vector<16xf32>,
      %add3A_110 = arith.addf %get3A_101, %gather3A : vector<16xf32>
      %add3A_111 = arith.addf %gather3A_106, %gather3A_109 : vector<16xf32>
      %add3A_112 = arith.addf %add3A_110, %add3A_111 : vector<16xf32>
      %mul3A_113 = arith.constant 4 : i32
      %mul3A_114 = arith.muli %mul3A_113, %scan3A_97 : i32
      %add3A_115 = vector.broadcast %mul3A_114 : i32 to vector<16xi32>
      %add3A_116 = arith.addi %add3A_115, %iota3A : vector<16xi32>
      tpu.vector_store_idx %arg12[%add3A_116], %add3A_112 masked %lt3A_28 : memref<16400xf32, #tpu.memory_space<vmem>>[vector<16xi32>], vector<16xf32>, vector<16xi1>
      %scan3A_117 = arith.constant 0 : i32
      scf.yield %scan3A_117 : i32
    }
    %scan3A_35 = arith.constant 4096 : i32
    "tpu.region"() ({
      %run_scoped3A_97 = tpu.sem_alloc : memref<!tpu.dma_semaphore, #tpu.memory_space<semaphore_mem>>
      %dma_start3A = arith.constant 0 : i32
      %dma_start3A_98 = tpu.memref_slice %arg12[%dma_start3A] : memref<16400xf32, #tpu.memory_space<vmem>> -> memref<16384xf32, #tpu.memory_space<vmem>>
      %dma_start3A_99 = arith.constant 0 : i32
      %dma_start3A_100 = tpu.memref_slice %arg13[%arg1, %dma_start3A_99] : memref<16x16384xf32, #tpu.memory_space<vmem_shared>> -> memref<1x16384xf32, #tpu.memory_space<vmem_shared>>
      %dma_start3A_101 = tpu.memref_squeeze %dma_start3A_100 : memref<1x16384xf32, #tpu.memory_space<vmem_shared>> -> memref<16384xf32, #tpu.memory_space<vmem_shared>>
      %dma_start3A_102 = arith.constant 0 : i32
      %dma_start3A_103 = tpu.memref_slice %arg13[%arg1, %dma_start3A_102] : memref<16x16384xf32, #tpu.memory_space<vmem_shared>> -> memref<1x16384xf32, #tpu.memory_space<vmem_shared>>
      %dma_start3A_104 = tpu.memref_squeeze %dma_start3A_103 : memref<1x16384xf32, #tpu.memory_space<vmem_shared>> -> memref<16384xf32, #tpu.memory_space<vmem_shared>>
      %dma_start3A_105 = arith.constant 0 : i32
      %dma_start3A_106 = tpu.memref_slice %arg12[%dma_start3A_105] : memref<16400xf32, #tpu.memory_space<vmem>> -> memref<16384xf32, #tpu.memory_space<vmem>>
      tpu.enqueue_dma source(%dma_start3A_106 : memref<16384xf32, #tpu.memory_space<vmem>>) target(%dma_start3A_104 : memref<16384xf32, #tpu.memory_space<vmem_shared>>) target_semaphore(%run_scoped3A_97 : memref<!tpu.dma_semaphore, #tpu.memory_space<semaphore_mem>>)
      %dma_wait3A = arith.constant 0 : i32
      %dma_wait3A_107 = tpu.memref_slice %arg12[%dma_wait3A] : memref<16400xf32, #tpu.memory_space<vmem>> -> memref<16384xf32, #tpu.memory_space<vmem>>
      %dma_wait3A_108 = arith.constant 0 : i32
      %dma_wait3A_109 = tpu.memref_slice %arg13[%arg1, %dma_wait3A_108] : memref<16x16384xf32, #tpu.memory_space<vmem_shared>> -> memref<1x16384xf32, #tpu.memory_space<vmem_shared>>
      %dma_wait3A_110 = tpu.memref_squeeze %dma_wait3A_109 : memref<1x16384xf32, #tpu.memory_space<vmem_shared>> -> memref<16384xf32, #tpu.memory_space<vmem_shared>>
      %dma_wait3A_111 = arith.constant 0 : i32
      %dma_wait3A_112 = tpu.memref_slice %arg13[%arg1, %dma_wait3A_111] : memref<16x16384xf32, #tpu.memory_space<vmem_shared>> -> memref<1x16384xf32, #tpu.memory_space<vmem_shared>>
      %dma_wait3A_113 = tpu.memref_squeeze %dma_wait3A_112 : memref<1x16384xf32, #tpu.memory_space<vmem_shared>> -> memref<16384xf32, #tpu.memory_space<vmem_shared>>
      %dma_wait3A_114 = arith.constant 0 : i32
      %dma_wait3A_115 = tpu.memref_slice %arg12[%dma_wait3A_114] : memref<16400xf32, #tpu.memory_space<vmem>> -> memref<16384xf32, #tpu.memory_space<vmem>>
      tpu.wait_dma2 semaphore(%run_scoped3A_97 : memref<!tpu.dma_semaphore, #tpu.memory_space<semaphore_mem>>) src(%dma_wait3A_115 : memref<16384xf32, #tpu.memory_space<vmem>>) dst(%dma_wait3A_113 : memref<16384xf32, #tpu.memory_space<vmem_shared>>)
      tpu.yield
    }) : () -> ()
    %barrier3A = arith.constant 0 : index
    tpu.barrier barrier_id(%barrier3A)
    %mul3A_36 = arith.constant 1024 : i32
    %mul3A_37 = arith.muli %arg1, %mul3A_36 : i32
    %run_scoped3A = arith.constant 0 : i32
    "tpu.region"() ({
      %run_scoped3A_97 = tpu.sem_alloc : memref<!tpu.dma_semaphore, #tpu.memory_space<semaphore_mem>>
      %dma_start3A = arith.constant 0 : i32
      %dma_start3A_98 = tpu.memref_slice %arg11[%dma_start3A] : memref<65536xf32, #tpu.memory_space<vmem>> -> memref<1024xf32, #tpu.memory_space<vmem>>
      %dma_start3A_99 = tpu.memref_slice %arg13[%run_scoped3A, %mul3A_37] : memref<16x16384xf32, #tpu.memory_space<vmem_shared>> -> memref<1x1024xf32, #tpu.memory_space<vmem_shared>>
      %dma_start3A_100 = tpu.memref_squeeze %dma_start3A_99 : memref<1x1024xf32, #tpu.memory_space<vmem_shared>> -> memref<1024xf32, #tpu.memory_space<vmem_shared>>
      %dma_start3A_101 = arith.constant 0 : i32
      %dma_start3A_102 = tpu.memref_slice %arg11[%dma_start3A_101] : memref<65536xf32, #tpu.memory_space<vmem>> -> memref<1024xf32, #tpu.memory_space<vmem>>
      %dma_start3A_103 = tpu.memref_slice %arg13[%run_scoped3A, %mul3A_37] : memref<16x16384xf32, #tpu.memory_space<vmem_shared>> -> memref<1x1024xf32, #tpu.memory_space<vmem_shared>>
      %dma_start3A_104 = tpu.memref_squeeze %dma_start3A_103 : memref<1x1024xf32, #tpu.memory_space<vmem_shared>> -> memref<1024xf32, #tpu.memory_space<vmem_shared>>
      tpu.enqueue_dma source(%dma_start3A_104 : memref<1024xf32, #tpu.memory_space<vmem_shared>>) target(%dma_start3A_102 : memref<1024xf32, #tpu.memory_space<vmem>>) target_semaphore(%run_scoped3A_97 : memref<!tpu.dma_semaphore, #tpu.memory_space<semaphore_mem>>)
      %dma_wait3A = arith.constant 0 : i32
      %dma_wait3A_105 = tpu.memref_slice %arg11[%dma_wait3A] : memref<65536xf32, #tpu.memory_space<vmem>> -> memref<1024xf32, #tpu.memory_space<vmem>>
      %dma_wait3A_106 = tpu.memref_slice %arg13[%run_scoped3A, %mul3A_37] : memref<16x16384xf32, #tpu.memory_space<vmem_shared>> -> memref<1x1024xf32, #tpu.memory_space<vmem_shared>>
      %dma_wait3A_107 = tpu.memref_squeeze %dma_wait3A_106 : memref<1x1024xf32, #tpu.memory_space<vmem_shared>> -> memref<1024xf32, #tpu.memory_space<vmem_shared>>
      %dma_wait3A_108 = arith.constant 0 : i32
      %dma_wait3A_109 = tpu.memref_slice %arg11[%dma_wait3A_108] : memref<65536xf32, #tpu.memory_space<vmem>> -> memref<1024xf32, #tpu.memory_space<vmem>>
      %dma_wait3A_110 = tpu.memref_slice %arg13[%run_scoped3A, %mul3A_37] : memref<16x16384xf32, #tpu.memory_space<vmem_shared>> -> memref<1x1024xf32, #tpu.memory_space<vmem_shared>>
      %dma_wait3A_111 = tpu.memref_squeeze %dma_wait3A_110 : memref<1x1024xf32, #tpu.memory_space<vmem_shared>> -> memref<1024xf32, #tpu.memory_space<vmem_shared>>
      tpu.wait_dma2 semaphore(%run_scoped3A_97 : memref<!tpu.dma_semaphore, #tpu.memory_space<semaphore_mem>>) src(%dma_wait3A_111 : memref<1024xf32, #tpu.memory_space<vmem_shared>>) dst(%dma_wait3A_109 : memref<1024xf32, #tpu.memory_space<vmem>>)
      tpu.yield
    }) : () -> ()
    %mul3A_38 = arith.constant 1024 : i32
    %mul3A_39 = arith.muli %arg1, %mul3A_38 : i32
    %run_scoped3A_40 = arith.constant 1 : i32
    "tpu.region"() ({
      %run_scoped3A_97 = tpu.sem_alloc : memref<!tpu.dma_semaphore, #tpu.memory_space<semaphore_mem>>
      %dma_start3A = arith.constant 1024 : i32
      %dma_start3A_98 = tpu.memref_slice %arg11[%dma_start3A] : memref<65536xf32, #tpu.memory_space<vmem>> -> memref<1024xf32, #tpu.memory_space<vmem>>
      %dma_start3A_99 = tpu.memref_slice %arg13[%run_scoped3A_40, %mul3A_39] : memref<16x16384xf32, #tpu.memory_space<vmem_shared>> -> memref<1x1024xf32, #tpu.memory_space<vmem_shared>>
      %dma_start3A_100 = tpu.memref_squeeze %dma_start3A_99 : memref<1x1024xf32, #tpu.memory_space<vmem_shared>> -> memref<1024xf32, #tpu.memory_space<vmem_shared>>
      %dma_start3A_101 = arith.constant 1024 : i32
      %dma_start3A_102 = tpu.memref_slice %arg11[%dma_start3A_101] : memref<65536xf32, #tpu.memory_space<vmem>> -> memref<1024xf32, #tpu.memory_space<vmem>>
      %dma_start3A_103 = tpu.memref_slice %arg13[%run_scoped3A_40, %mul3A_39] : memref<16x16384xf32, #tpu.memory_space<vmem_shared>> -> memref<1x1024xf32, #tpu.memory_space<vmem_shared>>
      %dma_start3A_104 = tpu.memref_squeeze %dma_start3A_103 : memref<1x1024xf32, #tpu.memory_space<vmem_shared>> -> memref<1024xf32, #tpu.memory_space<vmem_shared>>
      tpu.enqueue_dma source(%dma_start3A_104 : memref<1024xf32, #tpu.memory_space<vmem_shared>>) target(%dma_start3A_102 : memref<1024xf32, #tpu.memory_space<vmem>>) target_semaphore(%run_scoped3A_97 : memref<!tpu.dma_semaphore, #tpu.memory_space<semaphore_mem>>)
      %dma_wait3A = arith.constant 1024 : i32
      %dma_wait3A_105 = tpu.memref_slice %arg11[%dma_wait3A] : memref<65536xf32, #tpu.memory_space<vmem>> -> memref<1024xf32, #tpu.memory_space<vmem>>
      %dma_wait3A_106 = tpu.memref_slice %arg13[%run_scoped3A_40, %mul3A_39] : memref<16x16384xf32, #tpu.memory_space<vmem_shared>> -> memref<1x1024xf32, #tpu.memory_space<vmem_shared>>
      %dma_wait3A_107 = tpu.memref_squeeze %dma_wait3A_106 : memref<1x1024xf32, #tpu.memory_space<vmem_shared>> -> memref<1024xf32, #tpu.memory_space<vmem_shared>>
      %dma_wait3A_108 = arith.constant 1024 : i32
      %dma_wait3A_109 = tpu.memref_slice %arg11[%dma_wait3A_108] : memref<65536xf32, #tpu.memory_space<vmem>> -> memref<1024xf32, #tpu.memory_space<vmem>>
      %dma_wait3A_110 = tpu.memref_slice %arg13[%run_scoped3A_40, %mul3A_39] : memref<16x16384xf32, #tpu.memory_space<vmem_shared>> -> memref<1x1024xf32, #tpu.memory_space<vmem_shared>>
      %dma_wait3A_111 = tpu.memref_squeeze %dma_wait3A_110 : memref<1x1024xf32, #tpu.memory_space<vmem_shared>> -> memref<1024xf32, #tpu.memory_space<vmem_shared>>
      tpu.wait_dma2 semaphore(%run_scoped3A_97 : memref<!tpu.dma_semaphore, #tpu.memory_space<semaphore_mem>>) src(%dma_wait3A_111 : memref<1024xf32, #tpu.memory_space<vmem_shared>>) dst(%dma_wait3A_109 : memref<1024xf32, #tpu.memory_space<vmem>>)
      tpu.yield
    }) : () -> ()
    %mul3A_41 = arith.constant 1024 : i32
    %mul3A_42 = arith.muli %arg1, %mul3A_41 : i32
    %run_scoped3A_43 = arith.constant 2 : i32
    "tpu.region"() ({
      %run_scoped3A_97 = tpu.sem_alloc : memref<!tpu.dma_semaphore, #tpu.memory_space<semaphore_mem>>
      %dma_start3A = arith.constant 2048 : i32
      %dma_start3A_98 = tpu.memref_slice %arg11[%dma_start3A] : memref<65536xf32, #tpu.memory_space<vmem>> -> memref<1024xf32, #tpu.memory_space<vmem>>
      %dma_start3A_99 = tpu.memref_slice %arg13[%run_scoped3A_43, %mul3A_42] : memref<16x16384xf32, #tpu.memory_space<vmem_shared>> -> memref<1x1024xf32, #tpu.memory_space<vmem_shared>>
      %dma_start3A_100 = tpu.memref_squeeze %dma_start3A_99 : memref<1x1024xf32, #tpu.memory_space<vmem_shared>> -> memref<1024xf32, #tpu.memory_space<vmem_shared>>
      %dma_start3A_101 = arith.constant 2048 : i32
      %dma_start3A_102 = tpu.memref_slice %arg11[%dma_start3A_101] : memref<65536xf32, #tpu.memory_space<vmem>> -> memref<1024xf32, #tpu.memory_space<vmem>>
      %dma_start3A_103 = tpu.memref_slice %arg13[%run_scoped3A_43, %mul3A_42] : memref<16x16384xf32, #tpu.memory_space<vmem_shared>> -> memref<1x1024xf32, #tpu.memory_space<vmem_shared>>
      %dma_start3A_104 = tpu.memref_squeeze %dma_start3A_103 : memref<1x1024xf32, #tpu.memory_space<vmem_shared>> -> memref<1024xf32, #tpu.memory_space<vmem_shared>>
      tpu.enqueue_dma source(%dma_start3A_104 : memref<1024xf32, #tpu.memory_space<vmem_shared>>) target(%dma_start3A_102 : memref<1024xf32, #tpu.memory_space<vmem>>) target_semaphore(%run_scoped3A_97 : memref<!tpu.dma_semaphore, #tpu.memory_space<semaphore_mem>>)
      %dma_wait3A = arith.constant 2048 : i32
      %dma_wait3A_105 = tpu.memref_slice %arg11[%dma_wait3A] : memref<65536xf32, #tpu.memory_space<vmem>> -> memref<1024xf32, #tpu.memory_space<vmem>>
      %dma_wait3A_106 = tpu.memref_slice %arg13[%run_scoped3A_43, %mul3A_42] : memref<16x16384xf32, #tpu.memory_space<vmem_shared>> -> memref<1x1024xf32, #tpu.memory_space<vmem_shared>>
      %dma_wait3A_107 = tpu.memref_squeeze %dma_wait3A_106 : memref<1x1024xf32, #tpu.memory_space<vmem_shared>> -> memref<1024xf32, #tpu.memory_space<vmem_shared>>
      %dma_wait3A_108 = arith.constant 2048 : i32
      %dma_wait3A_109 = tpu.memref_slice %arg11[%dma_wait3A_108] : memref<65536xf32, #tpu.memory_space<vmem>> -> memref<1024xf32, #tpu.memory_space<vmem>>
      %dma_wait3A_110 = tpu.memref_slice %arg13[%run_scoped3A_43, %mul3A_42] : memref<16x16384xf32, #tpu.memory_space<vmem_shared>> -> memref<1x1024xf32, #tpu.memory_space<vmem_shared>>
      %dma_wait3A_111 = tpu.memref_squeeze %dma_wait3A_110 : memref<1x1024xf32, #tpu.memory_space<vmem_shared>> -> memref<1024xf32, #tpu.memory_space<vmem_shared>>
      tpu.wait_dma2 semaphore(%run_scoped3A_97 : memref<!tpu.dma_semaphore, #tpu.memory_space<semaphore_mem>>) src(%dma_wait3A_111 : memref<1024xf32, #tpu.memory_space<vmem_shared>>) dst(%dma_wait3A_109 : memref<1024xf32, #tpu.memory_space<vmem>>)
      tpu.yield
    }) : () -> ()
    %mul3A_44 = arith.constant 1024 : i32
    %mul3A_45 = arith.muli %arg1, %mul3A_44 : i32
    %run_scoped3A_46 = arith.constant 3 : i32
    "tpu.region"() ({
      %run_scoped3A_97 = tpu.sem_alloc : memref<!tpu.dma_semaphore, #tpu.memory_space<semaphore_mem>>
      %dma_start3A = arith.constant 3072 : i32
      %dma_start3A_98 = tpu.memref_slice %arg11[%dma_start3A] : memref<65536xf32, #tpu.memory_space<vmem>> -> memref<1024xf32, #tpu.memory_space<vmem>>
      %dma_start3A_99 = tpu.memref_slice %arg13[%run_scoped3A_46, %mul3A_45] : memref<16x16384xf32, #tpu.memory_space<vmem_shared>> -> memref<1x1024xf32, #tpu.memory_space<vmem_shared>>
      %dma_start3A_100 = tpu.memref_squeeze %dma_start3A_99 : memref<1x1024xf32, #tpu.memory_space<vmem_shared>> -> memref<1024xf32, #tpu.memory_space<vmem_shared>>
      %dma_start3A_101 = arith.constant 3072 : i32
      %dma_start3A_102 = tpu.memref_slice %arg11[%dma_start3A_101] : memref<65536xf32, #tpu.memory_space<vmem>> -> memref<1024xf32, #tpu.memory_space<vmem>>
      %dma_start3A_103 = tpu.memref_slice %arg13[%run_scoped3A_46, %mul3A_45] : memref<16x16384xf32, #tpu.memory_space<vmem_shared>> -> memref<1x1024xf32, #tpu.memory_space<vmem_shared>>
      %dma_start3A_104 = tpu.memref_squeeze %dma_start3A_103 : memref<1x1024xf32, #tpu.memory_space<vmem_shared>> -> memref<1024xf32, #tpu.memory_space<vmem_shared>>
      tpu.enqueue_dma source(%dma_start3A_104 : memref<1024xf32, #tpu.memory_space<vmem_shared>>) target(%dma_start3A_102 : memref<1024xf32, #tpu.memory_space<vmem>>) target_semaphore(%run_scoped3A_97 : memref<!tpu.dma_semaphore, #tpu.memory_space<semaphore_mem>>)
      %dma_wait3A = arith.constant 3072 : i32
      %dma_wait3A_105 = tpu.memref_slice %arg11[%dma_wait3A] : memref<65536xf32, #tpu.memory_space<vmem>> -> memref<1024xf32, #tpu.memory_space<vmem>>
      %dma_wait3A_106 = tpu.memref_slice %arg13[%run_scoped3A_46, %mul3A_45] : memref<16x16384xf32, #tpu.memory_space<vmem_shared>> -> memref<1x1024xf32, #tpu.memory_space<vmem_shared>>
      %dma_wait3A_107 = tpu.memref_squeeze %dma_wait3A_106 : memref<1x1024xf32, #tpu.memory_space<vmem_shared>> -> memref<1024xf32, #tpu.memory_space<vmem_shared>>
      %dma_wait3A_108 = arith.constant 3072 : i32
      %dma_wait3A_109 = tpu.memref_slice %arg11[%dma_wait3A_108] : memref<65536xf32, #tpu.memory_space<vmem>> -> memref<1024xf32, #tpu.memory_space<vmem>>
      %dma_wait3A_110 = tpu.memref_slice %arg13[%run_scoped3A_46, %mul3A_45] : memref<16x16384xf32, #tpu.memory_space<vmem_shared>> -> memref<1x1024xf32, #tpu.memory_space<vmem_shared>>
      %dma_wait3A_111 = tpu.memref_squeeze %dma_wait3A_110 : memref<1x1024xf32, #tpu.memory_space<vmem_shared>> -> memref<1024xf32, #tpu.memory_space<vmem_shared>>
      tpu.wait_dma2 semaphore(%run_scoped3A_97 : memref<!tpu.dma_semaphore, #tpu.memory_space<semaphore_mem>>) src(%dma_wait3A_111 : memref<1024xf32, #tpu.memory_space<vmem_shared>>) dst(%dma_wait3A_109 : memref<1024xf32, #tpu.memory_space<vmem>>)
      tpu.yield
    }) : () -> ()
    %mul3A_47 = arith.constant 1024 : i32
    %mul3A_48 = arith.muli %arg1, %mul3A_47 : i32
    %run_scoped3A_49 = arith.constant 4 : i32
    "tpu.region"() ({
      %run_scoped3A_97 = tpu.sem_alloc : memref<!tpu.dma_semaphore, #tpu.memory_space<semaphore_mem>>
      %dma_start3A = arith.constant 4096 : i32
      %dma_start3A_98 = tpu.memref_slice %arg11[%dma_start3A] : memref<65536xf32, #tpu.memory_space<vmem>> -> memref<1024xf32, #tpu.memory_space<vmem>>
      %dma_start3A_99 = tpu.memref_slice %arg13[%run_scoped3A_49, %mul3A_48] : memref<16x16384xf32, #tpu.memory_space<vmem_shared>> -> memref<1x1024xf32, #tpu.memory_space<vmem_shared>>
      %dma_start3A_100 = tpu.memref_squeeze %dma_start3A_99 : memref<1x1024xf32, #tpu.memory_space<vmem_shared>> -> memref<1024xf32, #tpu.memory_space<vmem_shared>>
      %dma_start3A_101 = arith.constant 4096 : i32
      %dma_start3A_102 = tpu.memref_slice %arg11[%dma_start3A_101] : memref<65536xf32, #tpu.memory_space<vmem>> -> memref<1024xf32, #tpu.memory_space<vmem>>
      %dma_start3A_103 = tpu.memref_slice %arg13[%run_scoped3A_49, %mul3A_48] : memref<16x16384xf32, #tpu.memory_space<vmem_shared>> -> memref<1x1024xf32, #tpu.memory_space<vmem_shared>>
      %dma_start3A_104 = tpu.memref_squeeze %dma_start3A_103 : memref<1x1024xf32, #tpu.memory_space<vmem_shared>> -> memref<1024xf32, #tpu.memory_space<vmem_shared>>
      tpu.enqueue_dma source(%dma_start3A_104 : memref<1024xf32, #tpu.memory_space<vmem_shared>>) target(%dma_start3A_102 : memref<1024xf32, #tpu.memory_space<vmem>>) target_semaphore(%run_scoped3A_97 : memref<!tpu.dma_semaphore, #tpu.memory_space<semaphore_mem>>)
      %dma_wait3A = arith.constant 4096 : i32
      %dma_wait3A_105 = tpu.memref_slice %arg11[%dma_wait3A] : memref<65536xf32, #tpu.memory_space<vmem>> -> memref<1024xf32, #tpu.memory_space<vmem>>
      %dma_wait3A_106 = tpu.memref_slice %arg13[%run_scoped3A_49, %mul3A_48] : memref<16x16384xf32, #tpu.memory_space<vmem_shared>> -> memref<1x1024xf32, #tpu.memory_space<vmem_shared>>
      %dma_wait3A_107 = tpu.memref_squeeze %dma_wait3A_106 : memref<1x1024xf32, #tpu.memory_space<vmem_shared>> -> memref<1024xf32, #tpu.memory_space<vmem_shared>>
      %dma_wait3A_108 = arith.constant 4096 : i32
      %dma_wait3A_109 = tpu.memref_slice %arg11[%dma_wait3A_108] : memref<65536xf32, #tpu.memory_space<vmem>> -> memref<1024xf32, #tpu.memory_space<vmem>>
      %dma_wait3A_110 = tpu.memref_slice %arg13[%run_scoped3A_49, %mul3A_48] : memref<16x16384xf32, #tpu.memory_space<vmem_shared>> -> memref<1x1024xf32, #tpu.memory_space<vmem_shared>>
      %dma_wait3A_111 = tpu.memref_squeeze %dma_wait3A_110 : memref<1x1024xf32, #tpu.memory_space<vmem_shared>> -> memref<1024xf32, #tpu.memory_space<vmem_shared>>
      tpu.wait_dma2 semaphore(%run_scoped3A_97 : memref<!tpu.dma_semaphore, #tpu.memory_space<semaphore_mem>>) src(%dma_wait3A_111 : memref<1024xf32, #tpu.memory_space<vmem_shared>>) dst(%dma_wait3A_109 : memref<1024xf32, #tpu.memory_space<vmem>>)
      tpu.yield
    }) : () -> ()
    %mul3A_50 = arith.constant 1024 : i32
    %mul3A_51 = arith.muli %arg1, %mul3A_50 : i32
    %run_scoped3A_52 = arith.constant 5 : i32
    "tpu.region"() ({
      %run_scoped3A_97 = tpu.sem_alloc : memref<!tpu.dma_semaphore, #tpu.memory_space<semaphore_mem>>
      %dma_start3A = arith.constant 5120 : i32
      %dma_start3A_98 = tpu.memref_slice %arg11[%dma_start3A] : memref<65536xf32, #tpu.memory_space<vmem>> -> memref<1024xf32, #tpu.memory_space<vmem>>
      %dma_start3A_99 = tpu.memref_slice %arg13[%run_scoped3A_52, %mul3A_51] : memref<16x16384xf32, #tpu.memory_space<vmem_shared>> -> memref<1x1024xf32, #tpu.memory_space<vmem_shared>>
      %dma_start3A_100 = tpu.memref_squeeze %dma_start3A_99 : memref<1x1024xf32, #tpu.memory_space<vmem_shared>> -> memref<1024xf32, #tpu.memory_space<vmem_shared>>
      %dma_start3A_101 = arith.constant 5120 : i32
      %dma_start3A_102 = tpu.memref_slice %arg11[%dma_start3A_101] : memref<65536xf32, #tpu.memory_space<vmem>> -> memref<1024xf32, #tpu.memory_space<vmem>>
      %dma_start3A_103 = tpu.memref_slice %arg13[%run_scoped3A_52, %mul3A_51] : memref<16x16384xf32, #tpu.memory_space<vmem_shared>> -> memref<1x1024xf32, #tpu.memory_space<vmem_shared>>
      %dma_start3A_104 = tpu.memref_squeeze %dma_start3A_103 : memref<1x1024xf32, #tpu.memory_space<vmem_shared>> -> memref<1024xf32, #tpu.memory_space<vmem_shared>>
      tpu.enqueue_dma source(%dma_start3A_104 : memref<1024xf32, #tpu.memory_space<vmem_shared>>) target(%dma_start3A_102 : memref<1024xf32, #tpu.memory_space<vmem>>) target_semaphore(%run_scoped3A_97 : memref<!tpu.dma_semaphore, #tpu.memory_space<semaphore_mem>>)
      %dma_wait3A = arith.constant 5120 : i32
      %dma_wait3A_105 = tpu.memref_slice %arg11[%dma_wait3A] : memref<65536xf32, #tpu.memory_space<vmem>> -> memref<1024xf32, #tpu.memory_space<vmem>>
      %dma_wait3A_106 = tpu.memref_slice %arg13[%run_scoped3A_52, %mul3A_51] : memref<16x16384xf32, #tpu.memory_space<vmem_shared>> -> memref<1x1024xf32, #tpu.memory_space<vmem_shared>>
      %dma_wait3A_107 = tpu.memref_squeeze %dma_wait3A_106 : memref<1x1024xf32, #tpu.memory_space<vmem_shared>> -> memref<1024xf32, #tpu.memory_space<vmem_shared>>
      %dma_wait3A_108 = arith.constant 5120 : i32
      %dma_wait3A_109 = tpu.memref_slice %arg11[%dma_wait3A_108] : memref<65536xf32, #tpu.memory_space<vmem>> -> memref<1024xf32, #tpu.memory_space<vmem>>
      %dma_wait3A_110 = tpu.memref_slice %arg13[%run_scoped3A_52, %mul3A_51] : memref<16x16384xf32, #tpu.memory_space<vmem_shared>> -> memref<1x1024xf32, #tpu.memory_space<vmem_shared>>
      %dma_wait3A_111 = tpu.memref_squeeze %dma_wait3A_110 : memref<1x1024xf32, #tpu.memory_space<vmem_shared>> -> memref<1024xf32, #tpu.memory_space<vmem_shared>>
      tpu.wait_dma2 semaphore(%run_scoped3A_97 : memref<!tpu.dma_semaphore, #tpu.memory_space<semaphore_mem>>) src(%dma_wait3A_111 : memref<1024xf32, #tpu.memory_space<vmem_shared>>) dst(%dma_wait3A_109 : memref<1024xf32, #tpu.memory_space<vmem>>)
      tpu.yield
    }) : () -> ()
    %mul3A_53 = arith.constant 1024 : i32
    %mul3A_54 = arith.muli %arg1, %mul3A_53 : i32
    %run_scoped3A_55 = arith.constant 6 : i32
    "tpu.region"() ({
      %run_scoped3A_97 = tpu.sem_alloc : memref<!tpu.dma_semaphore, #tpu.memory_space<semaphore_mem>>
      %dma_start3A = arith.constant 6144 : i32
      %dma_start3A_98 = tpu.memref_slice %arg11[%dma_start3A] : memref<65536xf32, #tpu.memory_space<vmem>> -> memref<1024xf32, #tpu.memory_space<vmem>>
      %dma_start3A_99 = tpu.memref_slice %arg13[%run_scoped3A_55, %mul3A_54] : memref<16x16384xf32, #tpu.memory_space<vmem_shared>> -> memref<1x1024xf32, #tpu.memory_space<vmem_shared>>
      %dma_start3A_100 = tpu.memref_squeeze %dma_start3A_99 : memref<1x1024xf32, #tpu.memory_space<vmem_shared>> -> memref<1024xf32, #tpu.memory_space<vmem_shared>>
      %dma_start3A_101 = arith.constant 6144 : i32
      %dma_start3A_102 = tpu.memref_slice %arg11[%dma_start3A_101] : memref<65536xf32, #tpu.memory_space<vmem>> -> memref<1024xf32, #tpu.memory_space<vmem>>
      %dma_start3A_103 = tpu.memref_slice %arg13[%run_scoped3A_55, %mul3A_54] : memref<16x16384xf32, #tpu.memory_space<vmem_shared>> -> memref<1x1024xf32, #tpu.memory_space<vmem_shared>>
      %dma_start3A_104 = tpu.memref_squeeze %dma_start3A_103 : memref<1x1024xf32, #tpu.memory_space<vmem_shared>> -> memref<1024xf32, #tpu.memory_space<vmem_shared>>
      tpu.enqueue_dma source(%dma_start3A_104 : memref<1024xf32, #tpu.memory_space<vmem_shared>>) target(%dma_start3A_102 : memref<1024xf32, #tpu.memory_space<vmem>>) target_semaphore(%run_scoped3A_97 : memref<!tpu.dma_semaphore, #tpu.memory_space<semaphore_mem>>)
      %dma_wait3A = arith.constant 6144 : i32
      %dma_wait3A_105 = tpu.memref_slice %arg11[%dma_wait3A] : memref<65536xf32, #tpu.memory_space<vmem>> -> memref<1024xf32, #tpu.memory_space<vmem>>
      %dma_wait3A_106 = tpu.memref_slice %arg13[%run_scoped3A_55, %mul3A_54] : memref<16x16384xf32, #tpu.memory_space<vmem_shared>> -> memref<1x1024xf32, #tpu.memory_space<vmem_shared>>
      %dma_wait3A_107 = tpu.memref_squeeze %dma_wait3A_106 : memref<1x1024xf32, #tpu.memory_space<vmem_shared>> -> memref<1024xf32, #tpu.memory_space<vmem_shared>>
      %dma_wait3A_108 = arith.constant 6144 : i32
      %dma_wait3A_109 = tpu.memref_slice %arg11[%dma_wait3A_108] : memref<65536xf32, #tpu.memory_space<vmem>> -> memref<1024xf32, #tpu.memory_space<vmem>>
      %dma_wait3A_110 = tpu.memref_slice %arg13[%run_scoped3A_55, %mul3A_54] : memref<16x16384xf32, #tpu.memory_space<vmem_shared>> -> memref<1x1024xf32, #tpu.memory_space<vmem_shared>>
      %dma_wait3A_111 = tpu.memref_squeeze %dma_wait3A_110 : memref<1x1024xf32, #tpu.memory_space<vmem_shared>> -> memref<1024xf32, #tpu.memory_space<vmem_shared>>
      tpu.wait_dma2 semaphore(%run_scoped3A_97 : memref<!tpu.dma_semaphore, #tpu.memory_space<semaphore_mem>>) src(%dma_wait3A_111 : memref<1024xf32, #tpu.memory_space<vmem_shared>>) dst(%dma_wait3A_109 : memref<1024xf32, #tpu.memory_space<vmem>>)
      tpu.yield
    }) : () -> ()
    %mul3A_56 = arith.constant 1024 : i32
    %mul3A_57 = arith.muli %arg1, %mul3A_56 : i32
    %run_scoped3A_58 = arith.constant 7 : i32
    "tpu.region"() ({
      %run_scoped3A_97 = tpu.sem_alloc : memref<!tpu.dma_semaphore, #tpu.memory_space<semaphore_mem>>
      %dma_start3A = arith.constant 7168 : i32
      %dma_start3A_98 = tpu.memref_slice %arg11[%dma_start3A] : memref<65536xf32, #tpu.memory_space<vmem>> -> memref<1024xf32, #tpu.memory_space<vmem>>
      %dma_start3A_99 = tpu.memref_slice %arg13[%run_scoped3A_58, %mul3A_57] : memref<16x16384xf32, #tpu.memory_space<vmem_shared>> -> memref<1x1024xf32, #tpu.memory_space<vmem_shared>>
      %dma_start3A_100 = tpu.memref_squeeze %dma_start3A_99 : memref<1x1024xf32, #tpu.memory_space<vmem_shared>> -> memref<1024xf32, #tpu.memory_space<vmem_shared>>
      %dma_start3A_101 = arith.constant 7168 : i32
      %dma_start3A_102 = tpu.memref_slice %arg11[%dma_start3A_101] : memref<65536xf32, #tpu.memory_space<vmem>> -> memref<1024xf32, #tpu.memory_space<vmem>>
      %dma_start3A_103 = tpu.memref_slice %arg13[%run_scoped3A_58, %mul3A_57] : memref<16x16384xf32, #tpu.memory_space<vmem_shared>> -> memref<1x1024xf32, #tpu.memory_space<vmem_shared>>
      %dma_start3A_104 = tpu.memref_squeeze %dma_start3A_103 : memref<1x1024xf32, #tpu.memory_space<vmem_shared>> -> memref<1024xf32, #tpu.memory_space<vmem_shared>>
      tpu.enqueue_dma source(%dma_start3A_104 : memref<1024xf32, #tpu.memory_space<vmem_shared>>) target(%dma_start3A_102 : memref<1024xf32, #tpu.memory_space<vmem>>) target_semaphore(%run_scoped3A_97 : memref<!tpu.dma_semaphore, #tpu.memory_space<semaphore_mem>>)
      %dma_wait3A = arith.constant 7168 : i32
      %dma_wait3A_105 = tpu.memref_slice %arg11[%dma_wait3A] : memref<65536xf32, #tpu.memory_space<vmem>> -> memref<1024xf32, #tpu.memory_space<vmem>>
      %dma_wait3A_106 = tpu.memref_slice %arg13[%run_scoped3A_58, %mul3A_57] : memref<16x16384xf32, #tpu.memory_space<vmem_shared>> -> memref<1x1024xf32, #tpu.memory_space<vmem_shared>>
      %dma_wait3A_107 = tpu.memref_squeeze %dma_wait3A_106 : memref<1x1024xf32, #tpu.memory_space<vmem_shared>> -> memref<1024xf32, #tpu.memory_space<vmem_shared>>
      %dma_wait3A_108 = arith.constant 7168 : i32
      %dma_wait3A_109 = tpu.memref_slice %arg11[%dma_wait3A_108] : memref<65536xf32, #tpu.memory_space<vmem>> -> memref<1024xf32, #tpu.memory_space<vmem>>
      %dma_wait3A_110 = tpu.memref_slice %arg13[%run_scoped3A_58, %mul3A_57] : memref<16x16384xf32, #tpu.memory_space<vmem_shared>> -> memref<1x1024xf32, #tpu.memory_space<vmem_shared>>
      %dma_wait3A_111 = tpu.memref_squeeze %dma_wait3A_110 : memref<1x1024xf32, #tpu.memory_space<vmem_shared>> -> memref<1024xf32, #tpu.memory_space<vmem_shared>>
      tpu.wait_dma2 semaphore(%run_scoped3A_97 : memref<!tpu.dma_semaphore, #tpu.memory_space<semaphore_mem>>) src(%dma_wait3A_111 : memref<1024xf32, #tpu.memory_space<vmem_shared>>) dst(%dma_wait3A_109 : memref<1024xf32, #tpu.memory_space<vmem>>)
      tpu.yield
    }) : () -> ()
    %mul3A_59 = arith.constant 1024 : i32
    %mul3A_60 = arith.muli %arg1, %mul3A_59 : i32
    %run_scoped3A_61 = arith.constant 8 : i32
    "tpu.region"() ({
      %run_scoped3A_97 = tpu.sem_alloc : memref<!tpu.dma_semaphore, #tpu.memory_space<semaphore_mem>>
      %dma_start3A = arith.constant 8192 : i32
      %dma_start3A_98 = tpu.memref_slice %arg11[%dma_start3A] : memref<65536xf32, #tpu.memory_space<vmem>> -> memref<1024xf32, #tpu.memory_space<vmem>>
      %dma_start3A_99 = tpu.memref_slice %arg13[%run_scoped3A_61, %mul3A_60] : memref<16x16384xf32, #tpu.memory_space<vmem_shared>> -> memref<1x1024xf32, #tpu.memory_space<vmem_shared>>
      %dma_start3A_100 = tpu.memref_squeeze %dma_start3A_99 : memref<1x1024xf32, #tpu.memory_space<vmem_shared>> -> memref<1024xf32, #tpu.memory_space<vmem_shared>>
      %dma_start3A_101 = arith.constant 8192 : i32
      %dma_start3A_102 = tpu.memref_slice %arg11[%dma_start3A_101] : memref<65536xf32, #tpu.memory_space<vmem>> -> memref<1024xf32, #tpu.memory_space<vmem>>
      %dma_start3A_103 = tpu.memref_slice %arg13[%run_scoped3A_61, %mul3A_60] : memref<16x16384xf32, #tpu.memory_space<vmem_shared>> -> memref<1x1024xf32, #tpu.memory_space<vmem_shared>>
      %dma_start3A_104 = tpu.memref_squeeze %dma_start3A_103 : memref<1x1024xf32, #tpu.memory_space<vmem_shared>> -> memref<1024xf32, #tpu.memory_space<vmem_shared>>
      tpu.enqueue_dma source(%dma_start3A_104 : memref<1024xf32, #tpu.memory_space<vmem_shared>>) target(%dma_start3A_102 : memref<1024xf32, #tpu.memory_space<vmem>>) target_semaphore(%run_scoped3A_97 : memref<!tpu.dma_semaphore, #tpu.memory_space<semaphore_mem>>)
      %dma_wait3A = arith.constant 8192 : i32
      %dma_wait3A_105 = tpu.memref_slice %arg11[%dma_wait3A] : memref<65536xf32, #tpu.memory_space<vmem>> -> memref<1024xf32, #tpu.memory_space<vmem>>
      %dma_wait3A_106 = tpu.memref_slice %arg13[%run_scoped3A_61, %mul3A_60] : memref<16x16384xf32, #tpu.memory_space<vmem_shared>> -> memref<1x1024xf32, #tpu.memory_space<vmem_shared>>
      %dma_wait3A_107 = tpu.memref_squeeze %dma_wait3A_106 : memref<1x1024xf32, #tpu.memory_space<vmem_shared>> -> memref<1024xf32, #tpu.memory_space<vmem_shared>>
      %dma_wait3A_108 = arith.constant 8192 : i32
      %dma_wait3A_109 = tpu.memref_slice %arg11[%dma_wait3A_108] : memref<65536xf32, #tpu.memory_space<vmem>> -> memref<1024xf32, #tpu.memory_space<vmem>>
      %dma_wait3A_110 = tpu.memref_slice %arg13[%run_scoped3A_61, %mul3A_60] : memref<16x16384xf32, #tpu.memory_space<vmem_shared>> -> memref<1x1024xf32, #tpu.memory_space<vmem_shared>>
      %dma_wait3A_111 = tpu.memref_squeeze %dma_wait3A_110 : memref<1x1024xf32, #tpu.memory_space<vmem_shared>> -> memref<1024xf32, #tpu.memory_space<vmem_shared>>
      tpu.wait_dma2 semaphore(%run_scoped3A_97 : memref<!tpu.dma_semaphore, #tpu.memory_space<semaphore_mem>>) src(%dma_wait3A_111 : memref<1024xf32, #tpu.memory_space<vmem_shared>>) dst(%dma_wait3A_109 : memref<1024xf32, #tpu.memory_space<vmem>>)
      tpu.yield
    }) : () -> ()
    %mul3A_62 = arith.constant 1024 : i32
    %mul3A_63 = arith.muli %arg1, %mul3A_62 : i32
    %run_scoped3A_64 = arith.constant 9 : i32
    "tpu.region"() ({
      %run_scoped3A_97 = tpu.sem_alloc : memref<!tpu.dma_semaphore, #tpu.memory_space<semaphore_mem>>
      %dma_start3A = arith.constant 9216 : i32
      %dma_start3A_98 = tpu.memref_slice %arg11[%dma_start3A] : memref<65536xf32, #tpu.memory_space<vmem>> -> memref<1024xf32, #tpu.memory_space<vmem>>
      %dma_start3A_99 = tpu.memref_slice %arg13[%run_scoped3A_64, %mul3A_63] : memref<16x16384xf32, #tpu.memory_space<vmem_shared>> -> memref<1x1024xf32, #tpu.memory_space<vmem_shared>>
      %dma_start3A_100 = tpu.memref_squeeze %dma_start3A_99 : memref<1x1024xf32, #tpu.memory_space<vmem_shared>> -> memref<1024xf32, #tpu.memory_space<vmem_shared>>
      %dma_start3A_101 = arith.constant 9216 : i32
      %dma_start3A_102 = tpu.memref_slice %arg11[%dma_start3A_101] : memref<65536xf32, #tpu.memory_space<vmem>> -> memref<1024xf32, #tpu.memory_space<vmem>>
      %dma_start3A_103 = tpu.memref_slice %arg13[%run_scoped3A_64, %mul3A_63] : memref<16x16384xf32, #tpu.memory_space<vmem_shared>> -> memref<1x1024xf32, #tpu.memory_space<vmem_shared>>
      %dma_start3A_104 = tpu.memref_squeeze %dma_start3A_103 : memref<1x1024xf32, #tpu.memory_space<vmem_shared>> -> memref<1024xf32, #tpu.memory_space<vmem_shared>>
      tpu.enqueue_dma source(%dma_start3A_104 : memref<1024xf32, #tpu.memory_space<vmem_shared>>) target(%dma_start3A_102 : memref<1024xf32, #tpu.memory_space<vmem>>) target_semaphore(%run_scoped3A_97 : memref<!tpu.dma_semaphore, #tpu.memory_space<semaphore_mem>>)
      %dma_wait3A = arith.constant 9216 : i32
      %dma_wait3A_105 = tpu.memref_slice %arg11[%dma_wait3A] : memref<65536xf32, #tpu.memory_space<vmem>> -> memref<1024xf32, #tpu.memory_space<vmem>>
      %dma_wait3A_106 = tpu.memref_slice %arg13[%run_scoped3A_64, %mul3A_63] : memref<16x16384xf32, #tpu.memory_space<vmem_shared>> -> memref<1x1024xf32, #tpu.memory_space<vmem_shared>>
      %dma_wait3A_107 = tpu.memref_squeeze %dma_wait3A_106 : memref<1x1024xf32, #tpu.memory_space<vmem_shared>> -> memref<1024xf32, #tpu.memory_space<vmem_shared>>
      %dma_wait3A_108 = arith.constant 9216 : i32
      %dma_wait3A_109 = tpu.memref_slice %arg11[%dma_wait3A_108] : memref<65536xf32, #tpu.memory_space<vmem>> -> memref<1024xf32, #tpu.memory_space<vmem>>
      %dma_wait3A_110 = tpu.memref_slice %arg13[%run_scoped3A_64, %mul3A_63] : memref<16x16384xf32, #tpu.memory_space<vmem_shared>> -> memref<1x1024xf32, #tpu.memory_space<vmem_shared>>
      %dma_wait3A_111 = tpu.memref_squeeze %dma_wait3A_110 : memref<1x1024xf32, #tpu.memory_space<vmem_shared>> -> memref<1024xf32, #tpu.memory_space<vmem_shared>>
      tpu.wait_dma2 semaphore(%run_scoped3A_97 : memref<!tpu.dma_semaphore, #tpu.memory_space<semaphore_mem>>) src(%dma_wait3A_111 : memref<1024xf32, #tpu.memory_space<vmem_shared>>) dst(%dma_wait3A_109 : memref<1024xf32, #tpu.memory_space<vmem>>)
      tpu.yield
    }) : () -> ()
    %mul3A_65 = arith.constant 1024 : i32
    %mul3A_66 = arith.muli %arg1, %mul3A_65 : i32
    %run_scoped3A_67 = arith.constant 10 : i32
    "tpu.region"() ({
      %run_scoped3A_97 = tpu.sem_alloc : memref<!tpu.dma_semaphore, #tpu.memory_space<semaphore_mem>>
      %dma_start3A = arith.constant 10240 : i32
      %dma_start3A_98 = tpu.memref_slice %arg11[%dma_start3A] : memref<65536xf32, #tpu.memory_space<vmem>> -> memref<1024xf32, #tpu.memory_space<vmem>>
      %dma_start3A_99 = tpu.memref_slice %arg13[%run_scoped3A_67, %mul3A_66] : memref<16x16384xf32, #tpu.memory_space<vmem_shared>> -> memref<1x1024xf32, #tpu.memory_space<vmem_shared>>
      %dma_start3A_100 = tpu.memref_squeeze %dma_start3A_99 : memref<1x1024xf32, #tpu.memory_space<vmem_shared>> -> memref<1024xf32, #tpu.memory_space<vmem_shared>>
      %dma_start3A_101 = arith.constant 10240 : i32
      %dma_start3A_102 = tpu.memref_slice %arg11[%dma_start3A_101] : memref<65536xf32, #tpu.memory_space<vmem>> -> memref<1024xf32, #tpu.memory_space<vmem>>
      %dma_start3A_103 = tpu.memref_slice %arg13[%run_scoped3A_67, %mul3A_66] : memref<16x16384xf32, #tpu.memory_space<vmem_shared>> -> memref<1x1024xf32, #tpu.memory_space<vmem_shared>>
      %dma_start3A_104 = tpu.memref_squeeze %dma_start3A_103 : memref<1x1024xf32, #tpu.memory_space<vmem_shared>> -> memref<1024xf32, #tpu.memory_space<vmem_shared>>
      tpu.enqueue_dma source(%dma_start3A_104 : memref<1024xf32, #tpu.memory_space<vmem_shared>>) target(%dma_start3A_102 : memref<1024xf32, #tpu.memory_space<vmem>>) target_semaphore(%run_scoped3A_97 : memref<!tpu.dma_semaphore, #tpu.memory_space<semaphore_mem>>)
      %dma_wait3A = arith.constant 10240 : i32
      %dma_wait3A_105 = tpu.memref_slice %arg11[%dma_wait3A] : memref<65536xf32, #tpu.memory_space<vmem>> -> memref<1024xf32, #tpu.memory_space<vmem>>
      %dma_wait3A_106 = tpu.memref_slice %arg13[%run_scoped3A_67, %mul3A_66] : memref<16x16384xf32, #tpu.memory_space<vmem_shared>> -> memref<1x1024xf32, #tpu.memory_space<vmem_shared>>
      %dma_wait3A_107 = tpu.memref_squeeze %dma_wait3A_106 : memref<1x1024xf32, #tpu.memory_space<vmem_shared>> -> memref<1024xf32, #tpu.memory_space<vmem_shared>>
      %dma_wait3A_108 = arith.constant 10240 : i32
      %dma_wait3A_109 = tpu.memref_slice %arg11[%dma_wait3A_108] : memref<65536xf32, #tpu.memory_space<vmem>> -> memref<1024xf32, #tpu.memory_space<vmem>>
      %dma_wait3A_110 = tpu.memref_slice %arg13[%run_scoped3A_67, %mul3A_66] : memref<16x16384xf32, #tpu.memory_space<vmem_shared>> -> memref<1x1024xf32, #tpu.memory_space<vmem_shared>>
      %dma_wait3A_111 = tpu.memref_squeeze %dma_wait3A_110 : memref<1x1024xf32, #tpu.memory_space<vmem_shared>> -> memref<1024xf32, #tpu.memory_space<vmem_shared>>
      tpu.wait_dma2 semaphore(%run_scoped3A_97 : memref<!tpu.dma_semaphore, #tpu.memory_space<semaphore_mem>>) src(%dma_wait3A_111 : memref<1024xf32, #tpu.memory_space<vmem_shared>>) dst(%dma_wait3A_109 : memref<1024xf32, #tpu.memory_space<vmem>>)
      tpu.yield
    }) : () -> ()
    %mul3A_68 = arith.constant 1024 : i32
    %mul3A_69 = arith.muli %arg1, %mul3A_68 : i32
    %run_scoped3A_70 = arith.constant 11 : i32
    "tpu.region"() ({
      %run_scoped3A_97 = tpu.sem_alloc : memref<!tpu.dma_semaphore, #tpu.memory_space<semaphore_mem>>
      %dma_start3A = arith.constant 11264 : i32
      %dma_start3A_98 = tpu.memref_slice %arg11[%dma_start3A] : memref<65536xf32, #tpu.memory_space<vmem>> -> memref<1024xf32, #tpu.memory_space<vmem>>
      %dma_start3A_99 = tpu.memref_slice %arg13[%run_scoped3A_70, %mul3A_69] : memref<16x16384xf32, #tpu.memory_space<vmem_shared>> -> memref<1x1024xf32, #tpu.memory_space<vmem_shared>>
      %dma_start3A_100 = tpu.memref_squeeze %dma_start3A_99 : memref<1x1024xf32, #tpu.memory_space<vmem_shared>> -> memref<1024xf32, #tpu.memory_space<vmem_shared>>
      %dma_start3A_101 = arith.constant 11264 : i32
      %dma_start3A_102 = tpu.memref_slice %arg11[%dma_start3A_101] : memref<65536xf32, #tpu.memory_space<vmem>> -> memref<1024xf32, #tpu.memory_space<vmem>>
      %dma_start3A_103 = tpu.memref_slice %arg13[%run_scoped3A_70, %mul3A_69] : memref<16x16384xf32, #tpu.memory_space<vmem_shared>> -> memref<1x1024xf32, #tpu.memory_space<vmem_shared>>
      %dma_start3A_104 = tpu.memref_squeeze %dma_start3A_103 : memref<1x1024xf32, #tpu.memory_space<vmem_shared>> -> memref<1024xf32, #tpu.memory_space<vmem_shared>>
      tpu.enqueue_dma source(%dma_start3A_104 : memref<1024xf32, #tpu.memory_space<vmem_shared>>) target(%dma_start3A_102 : memref<1024xf32, #tpu.memory_space<vmem>>) target_semaphore(%run_scoped3A_97 : memref<!tpu.dma_semaphore, #tpu.memory_space<semaphore_mem>>)
      %dma_wait3A = arith.constant 11264 : i32
      %dma_wait3A_105 = tpu.memref_slice %arg11[%dma_wait3A] : memref<65536xf32, #tpu.memory_space<vmem>> -> memref<1024xf32, #tpu.memory_space<vmem>>
      %dma_wait3A_106 = tpu.memref_slice %arg13[%run_scoped3A_70, %mul3A_69] : memref<16x16384xf32, #tpu.memory_space<vmem_shared>> -> memref<1x1024xf32, #tpu.memory_space<vmem_shared>>
      %dma_wait3A_107 = tpu.memref_squeeze %dma_wait3A_106 : memref<1x1024xf32, #tpu.memory_space<vmem_shared>> -> memref<1024xf32, #tpu.memory_space<vmem_shared>>
      %dma_wait3A_108 = arith.constant 11264 : i32
      %dma_wait3A_109 = tpu.memref_slice %arg11[%dma_wait3A_108] : memref<65536xf32, #tpu.memory_space<vmem>> -> memref<1024xf32, #tpu.memory_space<vmem>>
      %dma_wait3A_110 = tpu.memref_slice %arg13[%run_scoped3A_70, %mul3A_69] : memref<16x16384xf32, #tpu.memory_space<vmem_shared>> -> memref<1x1024xf32, #tpu.memory_space<vmem_shared>>
      %dma_wait3A_111 = tpu.memref_squeeze %dma_wait3A_110 : memref<1x1024xf32, #tpu.memory_space<vmem_shared>> -> memref<1024xf32, #tpu.memory_space<vmem_shared>>
      tpu.wait_dma2 semaphore(%run_scoped3A_97 : memref<!tpu.dma_semaphore, #tpu.memory_space<semaphore_mem>>) src(%dma_wait3A_111 : memref<1024xf32, #tpu.memory_space<vmem_shared>>) dst(%dma_wait3A_109 : memref<1024xf32, #tpu.memory_space<vmem>>)
      tpu.yield
    }) : () -> ()
    %mul3A_71 = arith.constant 1024 : i32
    %mul3A_72 = arith.muli %arg1, %mul3A_71 : i32
    %run_scoped3A_73 = arith.constant 12 : i32
    "tpu.region"() ({
      %run_scoped3A_97 = tpu.sem_alloc : memref<!tpu.dma_semaphore, #tpu.memory_space<semaphore_mem>>
      %dma_start3A = arith.constant 12288 : i32
      %dma_start3A_98 = tpu.memref_slice %arg11[%dma_start3A] : memref<65536xf32, #tpu.memory_space<vmem>> -> memref<1024xf32, #tpu.memory_space<vmem>>
      %dma_start3A_99 = tpu.memref_slice %arg13[%run_scoped3A_73, %mul3A_72] : memref<16x16384xf32, #tpu.memory_space<vmem_shared>> -> memref<1x1024xf32, #tpu.memory_space<vmem_shared>>
      %dma_start3A_100 = tpu.memref_squeeze %dma_start3A_99 : memref<1x1024xf32, #tpu.memory_space<vmem_shared>> -> memref<1024xf32, #tpu.memory_space<vmem_shared>>
      %dma_start3A_101 = arith.constant 12288 : i32
      %dma_start3A_102 = tpu.memref_slice %arg11[%dma_start3A_101] : memref<65536xf32, #tpu.memory_space<vmem>> -> memref<1024xf32, #tpu.memory_space<vmem>>
      %dma_start3A_103 = tpu.memref_slice %arg13[%run_scoped3A_73, %mul3A_72] : memref<16x16384xf32, #tpu.memory_space<vmem_shared>> -> memref<1x1024xf32, #tpu.memory_space<vmem_shared>>
      %dma_start3A_104 = tpu.memref_squeeze %dma_start3A_103 : memref<1x1024xf32, #tpu.memory_space<vmem_shared>> -> memref<1024xf32, #tpu.memory_space<vmem_shared>>
      tpu.enqueue_dma source(%dma_start3A_104 : memref<1024xf32, #tpu.memory_space<vmem_shared>>) target(%dma_start3A_102 : memref<1024xf32, #tpu.memory_space<vmem>>) target_semaphore(%run_scoped3A_97 : memref<!tpu.dma_semaphore, #tpu.memory_space<semaphore_mem>>)
      %dma_wait3A = arith.constant 12288 : i32
      %dma_wait3A_105 = tpu.memref_slice %arg11[%dma_wait3A] : memref<65536xf32, #tpu.memory_space<vmem>> -> memref<1024xf32, #tpu.memory_space<vmem>>
      %dma_wait3A_106 = tpu.memref_slice %arg13[%run_scoped3A_73, %mul3A_72] : memref<16x16384xf32, #tpu.memory_space<vmem_shared>> -> memref<1x1024xf32, #tpu.memory_space<vmem_shared>>
      %dma_wait3A_107 = tpu.memref_squeeze %dma_wait3A_106 : memref<1x1024xf32, #tpu.memory_space<vmem_shared>> -> memref<1024xf32, #tpu.memory_space<vmem_shared>>
      %dma_wait3A_108 = arith.constant 12288 : i32
      %dma_wait3A_109 = tpu.memref_slice %arg11[%dma_wait3A_108] : memref<65536xf32, #tpu.memory_space<vmem>> -> memref<1024xf32, #tpu.memory_space<vmem>>
      %dma_wait3A_110 = tpu.memref_slice %arg13[%run_scoped3A_73, %mul3A_72] : memref<16x16384xf32, #tpu.memory_space<vmem_shared>> -> memref<1x1024xf32, #tpu.memory_space<vmem_shared>>
      %dma_wait3A_111 = tpu.memref_squeeze %dma_wait3A_110 : memref<1x1024xf32, #tpu.memory_space<vmem_shared>> -> memref<1024xf32, #tpu.memory_space<vmem_shared>>
      tpu.wait_dma2 semaphore(%run_scoped3A_97 : memref<!tpu.dma_semaphore, #tpu.memory_space<semaphore_mem>>) src(%dma_wait3A_111 : memref<1024xf32, #tpu.memory_space<vmem_shared>>) dst(%dma_wait3A_109 : memref<1024xf32, #tpu.memory_space<vmem>>)
      tpu.yield
    }) : () -> ()
    %mul3A_74 = arith.constant 1024 : i32
    %mul3A_75 = arith.muli %arg1, %mul3A_74 : i32
    %run_scoped3A_76 = arith.constant 13 : i32
    "tpu.region"() ({
      %run_scoped3A_97 = tpu.sem_alloc : memref<!tpu.dma_semaphore, #tpu.memory_space<semaphore_mem>>
      %dma_start3A = arith.constant 13312 : i32
      %dma_start3A_98 = tpu.memref_slice %arg11[%dma_start3A] : memref<65536xf32, #tpu.memory_space<vmem>> -> memref<1024xf32, #tpu.memory_space<vmem>>
      %dma_start3A_99 = tpu.memref_slice %arg13[%run_scoped3A_76, %mul3A_75] : memref<16x16384xf32, #tpu.memory_space<vmem_shared>> -> memref<1x1024xf32, #tpu.memory_space<vmem_shared>>
      %dma_start3A_100 = tpu.memref_squeeze %dma_start3A_99 : memref<1x1024xf32, #tpu.memory_space<vmem_shared>> -> memref<1024xf32, #tpu.memory_space<vmem_shared>>
      %dma_start3A_101 = arith.constant 13312 : i32
      %dma_start3A_102 = tpu.memref_slice %arg11[%dma_start3A_101] : memref<65536xf32, #tpu.memory_space<vmem>> -> memref<1024xf32, #tpu.memory_space<vmem>>
      %dma_start3A_103 = tpu.memref_slice %arg13[%run_scoped3A_76, %mul3A_75] : memref<16x16384xf32, #tpu.memory_space<vmem_shared>> -> memref<1x1024xf32, #tpu.memory_space<vmem_shared>>
      %dma_start3A_104 = tpu.memref_squeeze %dma_start3A_103 : memref<1x1024xf32, #tpu.memory_space<vmem_shared>> -> memref<1024xf32, #tpu.memory_space<vmem_shared>>
      tpu.enqueue_dma source(%dma_start3A_104 : memref<1024xf32, #tpu.memory_space<vmem_shared>>) target(%dma_start3A_102 : memref<1024xf32, #tpu.memory_space<vmem>>) target_semaphore(%run_scoped3A_97 : memref<!tpu.dma_semaphore, #tpu.memory_space<semaphore_mem>>)
      %dma_wait3A = arith.constant 13312 : i32
      %dma_wait3A_105 = tpu.memref_slice %arg11[%dma_wait3A] : memref<65536xf32, #tpu.memory_space<vmem>> -> memref<1024xf32, #tpu.memory_space<vmem>>
      %dma_wait3A_106 = tpu.memref_slice %arg13[%run_scoped3A_76, %mul3A_75] : memref<16x16384xf32, #tpu.memory_space<vmem_shared>> -> memref<1x1024xf32, #tpu.memory_space<vmem_shared>>
      %dma_wait3A_107 = tpu.memref_squeeze %dma_wait3A_106 : memref<1x1024xf32, #tpu.memory_space<vmem_shared>> -> memref<1024xf32, #tpu.memory_space<vmem_shared>>
      %dma_wait3A_108 = arith.constant 13312 : i32
      %dma_wait3A_109 = tpu.memref_slice %arg11[%dma_wait3A_108] : memref<65536xf32, #tpu.memory_space<vmem>> -> memref<1024xf32, #tpu.memory_space<vmem>>
      %dma_wait3A_110 = tpu.memref_slice %arg13[%run_scoped3A_76, %mul3A_75] : memref<16x16384xf32, #tpu.memory_space<vmem_shared>> -> memref<1x1024xf32, #tpu.memory_space<vmem_shared>>
      %dma_wait3A_111 = tpu.memref_squeeze %dma_wait3A_110 : memref<1x1024xf32, #tpu.memory_space<vmem_shared>> -> memref<1024xf32, #tpu.memory_space<vmem_shared>>
      tpu.wait_dma2 semaphore(%run_scoped3A_97 : memref<!tpu.dma_semaphore, #tpu.memory_space<semaphore_mem>>) src(%dma_wait3A_111 : memref<1024xf32, #tpu.memory_space<vmem_shared>>) dst(%dma_wait3A_109 : memref<1024xf32, #tpu.memory_space<vmem>>)
      tpu.yield
    }) : () -> ()
    %mul3A_77 = arith.constant 1024 : i32
    %mul3A_78 = arith.muli %arg1, %mul3A_77 : i32
    %run_scoped3A_79 = arith.constant 14 : i32
    "tpu.region"() ({
      %run_scoped3A_97 = tpu.sem_alloc : memref<!tpu.dma_semaphore, #tpu.memory_space<semaphore_mem>>
      %dma_start3A = arith.constant 14336 : i32
      %dma_start3A_98 = tpu.memref_slice %arg11[%dma_start3A] : memref<65536xf32, #tpu.memory_space<vmem>> -> memref<1024xf32, #tpu.memory_space<vmem>>
      %dma_start3A_99 = tpu.memref_slice %arg13[%run_scoped3A_79, %mul3A_78] : memref<16x16384xf32, #tpu.memory_space<vmem_shared>> -> memref<1x1024xf32, #tpu.memory_space<vmem_shared>>
      %dma_start3A_100 = tpu.memref_squeeze %dma_start3A_99 : memref<1x1024xf32, #tpu.memory_space<vmem_shared>> -> memref<1024xf32, #tpu.memory_space<vmem_shared>>
      %dma_start3A_101 = arith.constant 14336 : i32
      %dma_start3A_102 = tpu.memref_slice %arg11[%dma_start3A_101] : memref<65536xf32, #tpu.memory_space<vmem>> -> memref<1024xf32, #tpu.memory_space<vmem>>
      %dma_start3A_103 = tpu.memref_slice %arg13[%run_scoped3A_79, %mul3A_78] : memref<16x16384xf32, #tpu.memory_space<vmem_shared>> -> memref<1x1024xf32, #tpu.memory_space<vmem_shared>>
      %dma_start3A_104 = tpu.memref_squeeze %dma_start3A_103 : memref<1x1024xf32, #tpu.memory_space<vmem_shared>> -> memref<1024xf32, #tpu.memory_space<vmem_shared>>
      tpu.enqueue_dma source(%dma_start3A_104 : memref<1024xf32, #tpu.memory_space<vmem_shared>>) target(%dma_start3A_102 : memref<1024xf32, #tpu.memory_space<vmem>>) target_semaphore(%run_scoped3A_97 : memref<!tpu.dma_semaphore, #tpu.memory_space<semaphore_mem>>)
      %dma_wait3A = arith.constant 14336 : i32
      %dma_wait3A_105 = tpu.memref_slice %arg11[%dma_wait3A] : memref<65536xf32, #tpu.memory_space<vmem>> -> memref<1024xf32, #tpu.memory_space<vmem>>
      %dma_wait3A_106 = tpu.memref_slice %arg13[%run_scoped3A_79, %mul3A_78] : memref<16x16384xf32, #tpu.memory_space<vmem_shared>> -> memref<1x1024xf32, #tpu.memory_space<vmem_shared>>
      %dma_wait3A_107 = tpu.memref_squeeze %dma_wait3A_106 : memref<1x1024xf32, #tpu.memory_space<vmem_shared>> -> memref<1024xf32, #tpu.memory_space<vmem_shared>>
      %dma_wait3A_108 = arith.constant 14336 : i32
      %dma_wait3A_109 = tpu.memref_slice %arg11[%dma_wait3A_108] : memref<65536xf32, #tpu.memory_space<vmem>> -> memref<1024xf32, #tpu.memory_space<vmem>>
      %dma_wait3A_110 = tpu.memref_slice %arg13[%run_scoped3A_79, %mul3A_78] : memref<16x16384xf32, #tpu.memory_space<vmem_shared>> -> memref<1x1024xf32, #tpu.memory_space<vmem_shared>>
      %dma_wait3A_111 = tpu.memref_squeeze %dma_wait3A_110 : memref<1x1024xf32, #tpu.memory_space<vmem_shared>> -> memref<1024xf32, #tpu.memory_space<vmem_shared>>
      tpu.wait_dma2 semaphore(%run_scoped3A_97 : memref<!tpu.dma_semaphore, #tpu.memory_space<semaphore_mem>>) src(%dma_wait3A_111 : memref<1024xf32, #tpu.memory_space<vmem_shared>>) dst(%dma_wait3A_109 : memref<1024xf32, #tpu.memory_space<vmem>>)
      tpu.yield
    }) : () -> ()
    %mul3A_80 = arith.constant 1024 : i32
    %mul3A_81 = arith.muli %arg1, %mul3A_80 : i32
    %run_scoped3A_82 = arith.constant 15 : i32
    "tpu.region"() ({
      %run_scoped3A_97 = tpu.sem_alloc : memref<!tpu.dma_semaphore, #tpu.memory_space<semaphore_mem>>
      %dma_start3A = arith.constant 15360 : i32
      %dma_start3A_98 = tpu.memref_slice %arg11[%dma_start3A] : memref<65536xf32, #tpu.memory_space<vmem>> -> memref<1024xf32, #tpu.memory_space<vmem>>
      %dma_start3A_99 = tpu.memref_slice %arg13[%run_scoped3A_82, %mul3A_81] : memref<16x16384xf32, #tpu.memory_space<vmem_shared>> -> memref<1x1024xf32, #tpu.memory_space<vmem_shared>>
      %dma_start3A_100 = tpu.memref_squeeze %dma_start3A_99 : memref<1x1024xf32, #tpu.memory_space<vmem_shared>> -> memref<1024xf32, #tpu.memory_space<vmem_shared>>
      %dma_start3A_101 = arith.constant 15360 : i32
      %dma_start3A_102 = tpu.memref_slice %arg11[%dma_start3A_101] : memref<65536xf32, #tpu.memory_space<vmem>> -> memref<1024xf32, #tpu.memory_space<vmem>>
      %dma_start3A_103 = tpu.memref_slice %arg13[%run_scoped3A_82, %mul3A_81] : memref<16x16384xf32, #tpu.memory_space<vmem_shared>> -> memref<1x1024xf32, #tpu.memory_space<vmem_shared>>
      %dma_start3A_104 = tpu.memref_squeeze %dma_start3A_103 : memref<1x1024xf32, #tpu.memory_space<vmem_shared>> -> memref<1024xf32, #tpu.memory_space<vmem_shared>>
      tpu.enqueue_dma source(%dma_start3A_104 : memref<1024xf32, #tpu.memory_space<vmem_shared>>) target(%dma_start3A_102 : memref<1024xf32, #tpu.memory_space<vmem>>) target_semaphore(%run_scoped3A_97 : memref<!tpu.dma_semaphore, #tpu.memory_space<semaphore_mem>>)
      %dma_wait3A = arith.constant 15360 : i32
      %dma_wait3A_105 = tpu.memref_slice %arg11[%dma_wait3A] : memref<65536xf32, #tpu.memory_space<vmem>> -> memref<1024xf32, #tpu.memory_space<vmem>>
      %dma_wait3A_106 = tpu.memref_slice %arg13[%run_scoped3A_82, %mul3A_81] : memref<16x16384xf32, #tpu.memory_space<vmem_shared>> -> memref<1x1024xf32, #tpu.memory_space<vmem_shared>>
      %dma_wait3A_107 = tpu.memref_squeeze %dma_wait3A_106 : memref<1x1024xf32, #tpu.memory_space<vmem_shared>> -> memref<1024xf32, #tpu.memory_space<vmem_shared>>
      %dma_wait3A_108 = arith.constant 15360 : i32
      %dma_wait3A_109 = tpu.memref_slice %arg11[%dma_wait3A_108] : memref<65536xf32, #tpu.memory_space<vmem>> -> memref<1024xf32, #tpu.memory_space<vmem>>
      %dma_wait3A_110 = tpu.memref_slice %arg13[%run_scoped3A_82, %mul3A_81] : memref<16x16384xf32, #tpu.memory_space<vmem_shared>> -> memref<1x1024xf32, #tpu.memory_space<vmem_shared>>
      %dma_wait3A_111 = tpu.memref_squeeze %dma_wait3A_110 : memref<1x1024xf32, #tpu.memory_space<vmem_shared>> -> memref<1024xf32, #tpu.memory_space<vmem_shared>>
      tpu.wait_dma2 semaphore(%run_scoped3A_97 : memref<!tpu.dma_semaphore, #tpu.memory_space<semaphore_mem>>) src(%dma_wait3A_111 : memref<1024xf32, #tpu.memory_space<vmem_shared>>) dst(%dma_wait3A_109 : memref<1024xf32, #tpu.memory_space<vmem>>)
      tpu.yield
    }) : () -> ()
    %scan3A_83 = arith.constant 0 : i32
    %scan3A_84 = arith.constant 0 : i32
    %scan3A_85 = arith.constant 64 : i32
    %scan3A_86 = arith.addi %scan3A_84, %scan3A_85 : i32
    %scan3A_87 = arith.constant 1 : i32
    %scan3A_88 = scf.for %scan3A_97 = %scan3A_84 to %scan3A_86 step %scan3A_87 iter_args(%scan3A_98 = %scan3A_83) -> (i32)  : i32 {
      %mul3A_99 = arith.constant 16 : i32
      %mul3A_100 = arith.muli %scan3A_97, %mul3A_99 : i32
      %add3A_101 = arith.constant 0 : i32
      %add3A_102 = arith.addi %add3A_101, %mul3A_100 : i32
      %get3A = arith.index_cast %add3A_102 : i32 to index
      %get3A_103 = tpu.vector_load %arg11[%get3A] {strides = array<i32>} : memref<65536xf32, #tpu.memory_space<vmem>>, vector<16xf32>,
      %add3A_104 = arith.addf %broadcast_in_dim3A_5, %get3A_103 : vector<16xf32>
      %mul3A_105 = arith.constant 16 : i32
      %mul3A_106 = arith.muli %scan3A_97, %mul3A_105 : i32
      %add3A_107 = arith.constant 1024 : i32
      %add3A_108 = arith.addi %add3A_107, %mul3A_106 : i32
      %get3A_109 = arith.index_cast %add3A_108 : i32 to index
      %get3A_110 = tpu.vector_load %arg11[%get3A_109] {strides = array<i32>} : memref<65536xf32, #tpu.memory_space<vmem>>, vector<16xf32>,
      %add3A_111 = arith.addf %add3A_104, %get3A_110 : vector<16xf32>
      %mul3A_112 = arith.constant 16 : i32
      %mul3A_113 = arith.muli %scan3A_97, %mul3A_112 : i32
      %add3A_114 = arith.constant 2048 : i32
      %add3A_115 = arith.addi %add3A_114, %mul3A_113 : i32
      %get3A_116 = arith.index_cast %add3A_115 : i32 to index
      %get3A_117 = tpu.vector_load %arg11[%get3A_116] {strides = array<i32>} : memref<65536xf32, #tpu.memory_space<vmem>>, vector<16xf32>,
      %add3A_118 = arith.addf %add3A_111, %get3A_117 : vector<16xf32>
      %mul3A_119 = arith.constant 16 : i32
      %mul3A_120 = arith.muli %scan3A_97, %mul3A_119 : i32
      %add3A_121 = arith.constant 3072 : i32
      %add3A_122 = arith.addi %add3A_121, %mul3A_120 : i32
      %get3A_123 = arith.index_cast %add3A_122 : i32 to index
      %get3A_124 = tpu.vector_load %arg11[%get3A_123] {strides = array<i32>} : memref<65536xf32, #tpu.memory_space<vmem>>, vector<16xf32>,
      %add3A_125 = arith.addf %add3A_118, %get3A_124 : vector<16xf32>
      %mul3A_126 = arith.constant 16 : i32
      %mul3A_127 = arith.muli %scan3A_97, %mul3A_126 : i32
      %add3A_128 = arith.constant 4096 : i32
      %add3A_129 = arith.addi %add3A_128, %mul3A_127 : i32
      %get3A_130 = arith.index_cast %add3A_129 : i32 to index
      %get3A_131 = tpu.vector_load %arg11[%get3A_130] {strides = array<i32>} : memref<65536xf32, #tpu.memory_space<vmem>>, vector<16xf32>,
      %add3A_132 = arith.addf %add3A_125, %get3A_131 : vector<16xf32>
      %mul3A_133 = arith.constant 16 : i32
      %mul3A_134 = arith.muli %scan3A_97, %mul3A_133 : i32
      %add3A_135 = arith.constant 5120 : i32
      %add3A_136 = arith.addi %add3A_135, %mul3A_134 : i32
      %get3A_137 = arith.index_cast %add3A_136 : i32 to index
      %get3A_138 = tpu.vector_load %arg11[%get3A_137] {strides = array<i32>} : memref<65536xf32, #tpu.memory_space<vmem>>, vector<16xf32>,
      %add3A_139 = arith.addf %add3A_132, %get3A_138 : vector<16xf32>
      %mul3A_140 = arith.constant 16 : i32
      %mul3A_141 = arith.muli %scan3A_97, %mul3A_140 : i32
      %add3A_142 = arith.constant 6144 : i32
      %add3A_143 = arith.addi %add3A_142, %mul3A_141 : i32
      %get3A_144 = arith.index_cast %add3A_143 : i32 to index
      %get3A_145 = tpu.vector_load %arg11[%get3A_144] {strides = array<i32>} : memref<65536xf32, #tpu.memory_space<vmem>>, vector<16xf32>,
      %add3A_146 = arith.addf %add3A_139, %get3A_145 : vector<16xf32>
      %mul3A_147 = arith.constant 16 : i32
      %mul3A_148 = arith.muli %scan3A_97, %mul3A_147 : i32
      %add3A_149 = arith.constant 7168 : i32
      %add3A_150 = arith.addi %add3A_149, %mul3A_148 : i32
      %get3A_151 = arith.index_cast %add3A_150 : i32 to index
      %get3A_152 = tpu.vector_load %arg11[%get3A_151] {strides = array<i32>} : memref<65536xf32, #tpu.memory_space<vmem>>, vector<16xf32>,
      %add3A_153 = arith.addf %add3A_146, %get3A_152 : vector<16xf32>
      %mul3A_154 = arith.constant 16 : i32
      %mul3A_155 = arith.muli %scan3A_97, %mul3A_154 : i32
      %add3A_156 = arith.constant 8192 : i32
      %add3A_157 = arith.addi %add3A_156, %mul3A_155 : i32
      %get3A_158 = arith.index_cast %add3A_157 : i32 to index
      %get3A_159 = tpu.vector_load %arg11[%get3A_158] {strides = array<i32>} : memref<65536xf32, #tpu.memory_space<vmem>>, vector<16xf32>,
      %add3A_160 = arith.addf %add3A_153, %get3A_159 : vector<16xf32>
      %mul3A_161 = arith.constant 16 : i32
      %mul3A_162 = arith.muli %scan3A_97, %mul3A_161 : i32
      %add3A_163 = arith.constant 9216 : i32
      %add3A_164 = arith.addi %add3A_163, %mul3A_162 : i32
      %get3A_165 = arith.index_cast %add3A_164 : i32 to index
      %get3A_166 = tpu.vector_load %arg11[%get3A_165] {strides = array<i32>} : memref<65536xf32, #tpu.memory_space<vmem>>, vector<16xf32>,
      %add3A_167 = arith.addf %add3A_160, %get3A_166 : vector<16xf32>
      %mul3A_168 = arith.constant 16 : i32
      %mul3A_169 = arith.muli %scan3A_97, %mul3A_168 : i32
      %add3A_170 = arith.constant 10240 : i32
      %add3A_171 = arith.addi %add3A_170, %mul3A_169 : i32
      %get3A_172 = arith.index_cast %add3A_171 : i32 to index
      %get3A_173 = tpu.vector_load %arg11[%get3A_172] {strides = array<i32>} : memref<65536xf32, #tpu.memory_space<vmem>>, vector<16xf32>,
      %add3A_174 = arith.addf %add3A_167, %get3A_173 : vector<16xf32>
      %mul3A_175 = arith.constant 16 : i32
      %mul3A_176 = arith.muli %scan3A_97, %mul3A_175 : i32
      %add3A_177 = arith.constant 11264 : i32
      %add3A_178 = arith.addi %add3A_177, %mul3A_176 : i32
      %get3A_179 = arith.index_cast %add3A_178 : i32 to index
      %get3A_180 = tpu.vector_load %arg11[%get3A_179] {strides = array<i32>} : memref<65536xf32, #tpu.memory_space<vmem>>, vector<16xf32>,
      %add3A_181 = arith.addf %add3A_174, %get3A_180 : vector<16xf32>
      %mul3A_182 = arith.constant 16 : i32
      %mul3A_183 = arith.muli %scan3A_97, %mul3A_182 : i32
      %add3A_184 = arith.constant 12288 : i32
      %add3A_185 = arith.addi %add3A_184, %mul3A_183 : i32
      %get3A_186 = arith.index_cast %add3A_185 : i32 to index
      %get3A_187 = tpu.vector_load %arg11[%get3A_186] {strides = array<i32>} : memref<65536xf32, #tpu.memory_space<vmem>>, vector<16xf32>,
      %add3A_188 = arith.addf %add3A_181, %get3A_187 : vector<16xf32>
      %mul3A_189 = arith.constant 16 : i32
      %mul3A_190 = arith.muli %scan3A_97, %mul3A_189 : i32
      %add3A_191 = arith.constant 13312 : i32
      %add3A_192 = arith.addi %add3A_191, %mul3A_190 : i32
      %get3A_193 = arith.index_cast %add3A_192 : i32 to index
      %get3A_194 = tpu.vector_load %arg11[%get3A_193] {strides = array<i32>} : memref<65536xf32, #tpu.memory_space<vmem>>, vector<16xf32>,
      %add3A_195 = arith.addf %add3A_188, %get3A_194 : vector<16xf32>
      %mul3A_196 = arith.constant 16 : i32
      %mul3A_197 = arith.muli %scan3A_97, %mul3A_196 : i32
      %add3A_198 = arith.constant 14336 : i32
      %add3A_199 = arith.addi %add3A_198, %mul3A_197 : i32
      %get3A_200 = arith.index_cast %add3A_199 : i32 to index
      %get3A_201 = tpu.vector_load %arg11[%get3A_200] {strides = array<i32>} : memref<65536xf32, #tpu.memory_space<vmem>>, vector<16xf32>,
      %add3A_202 = arith.addf %add3A_195, %get3A_201 : vector<16xf32>
      %mul3A_203 = arith.constant 16 : i32
      %mul3A_204 = arith.muli %scan3A_97, %mul3A_203 : i32
      %add3A_205 = arith.constant 15360 : i32
      %add3A_206 = arith.addi %add3A_205, %mul3A_204 : i32
      %get3A_207 = arith.index_cast %add3A_206 : i32 to index
      %get3A_208 = tpu.vector_load %arg11[%get3A_207] {strides = array<i32>} : memref<65536xf32, #tpu.memory_space<vmem>>, vector<16xf32>,
      %add3A_209 = arith.addf %add3A_202, %get3A_208 : vector<16xf32>
      %mul3A_210 = arith.constant 16 : i32
      %mul3A_211 = arith.muli %scan3A_97, %mul3A_210 : i32
      %swap3A = arith.index_cast %mul3A_211 : i32 to index
      %swap3A_212 = tpu.vector_load %arg12[%swap3A] {strides = array<i32>} : memref<16400xf32, #tpu.memory_space<vmem>>, vector<16xf32>,
      tpu.vector_store %arg12[%swap3A], %add3A_209 {strides = array<i32>} : memref<16400xf32, #tpu.memory_space<vmem>>, vector<16xf32>,
      %scan3A_213 = arith.constant 0 : i32
      scf.yield %scan3A_213 : i32
    }
    %scan3A_89 = arith.constant 64 : i32
    %mul3A_90 = arith.constant 4 : i32
    %mul3A_91 = arith.muli %arg0, %mul3A_90 : i32
    %mul3A_92 = arith.constant 4096 : i32
    %mul3A_93 = arith.muli %mul3A_91, %mul3A_92 : i32
    %mul3A_94 = arith.constant 1024 : i32
    %mul3A_95 = arith.muli %arg1, %mul3A_94 : i32
    %add3A_96 = arith.addi %mul3A_93, %mul3A_95 : i32
    "tpu.region"() ({
      %run_scoped3A_97 = tpu.sem_alloc : memref<!tpu.dma_semaphore, #tpu.memory_space<semaphore_mem>>
      %dma_start3A = arith.constant 0 : i32
      %dma_start3A_98 = tpu.memref_slice %arg12[%dma_start3A] : memref<16400xf32, #tpu.memory_space<vmem>> -> memref<1024xf32, #tpu.memory_space<vmem>>
      %dma_start3A_99 = tpu.memref_slice %arg6[%add3A_96] : memref<32768xf32, #tpu.memory_space<hbm>> -> memref<1024xf32, #tpu.memory_space<hbm>>
      %dma_start3A_100 = tpu.memref_slice %arg6[%add3A_96] : memref<32768xf32, #tpu.memory_space<hbm>> -> memref<1024xf32, #tpu.memory_space<hbm>>
      %dma_start3A_101 = arith.constant 0 : i32
      %dma_start3A_102 = tpu.memref_slice %arg12[%dma_start3A_101] : memref<16400xf32, #tpu.memory_space<vmem>> -> memref<1024xf32, #tpu.memory_space<vmem>>
      tpu.enqueue_dma source(%dma_start3A_102 : memref<1024xf32, #tpu.memory_space<vmem>>) target(%dma_start3A_100 : memref<1024xf32, #tpu.memory_space<hbm>>) target_semaphore(%run_scoped3A_97 : memref<!tpu.dma_semaphore, #tpu.memory_space<semaphore_mem>>)
      %dma_wait3A = arith.constant 0 : i32
      %dma_wait3A_103 = tpu.memref_slice %arg12[%dma_wait3A] : memref<16400xf32, #tpu.memory_space<vmem>> -> memref<1024xf32, #tpu.memory_space<vmem>>
      %dma_wait3A_104 = tpu.memref_slice %arg6[%add3A_96] : memref<32768xf32, #tpu.memory_space<hbm>> -> memref<1024xf32, #tpu.memory_space<hbm>>
      %dma_wait3A_105 = tpu.memref_slice %arg6[%add3A_96] : memref<32768xf32, #tpu.memory_space<hbm>> -> memref<1024xf32, #tpu.memory_space<hbm>>
      %dma_wait3A_106 = arith.constant 0 : i32
      %dma_wait3A_107 = tpu.memref_slice %arg12[%dma_wait3A_106] : memref<16400xf32, #tpu.memory_space<vmem>> -> memref<1024xf32, #tpu.memory_space<vmem>>
      tpu.wait_dma2 semaphore(%run_scoped3A_97 : memref<!tpu.dma_semaphore, #tpu.memory_space<semaphore_mem>>) src(%dma_wait3A_107 : memref<1024xf32, #tpu.memory_space<vmem>>) dst(%dma_wait3A_105 : memref<1024xf32, #tpu.memory_space<hbm>>)
      tpu.yield
    }) : () -> ()
    return
  }
}

</mosaic_0001>

<sc_bundles>
// kernel: kernel.4.cloned.1.call-start
scs
__scs_entry_jumppad:
0x0: {  	(pc) =	sbr.rel $0x88, $3  }
0x1: {  	(tag) =	ssettag $0x0;
	lr =	simm.s32 $0x1  }
0x2: {  	[smem:$0x3F9D] =	sst lr;
	_ =	strace $0xD0000000  }
0x3: {  	_ = 	snop  }
0x4: {  	_ = 	snop  }
0x5: {  	_ = 	snop  }
0x6: {  	_ = 	snop  }
0x7: {  	_ = 	snop  }
__scs_overlays_trampoline_lowered:
0x8: {  	[smem:$0x3FAC] =	sst s0  }
0x9: {  	[smem:$0x3FAD] =	sst s1  }
0xa: {  	[smem:$0x3FAE] =	sst s2  }
0xb: {  	[smem:$0x3FAF] =	sst s3  }
0xc: {  	[smem:$0x3FB0] =	sst s4  }
0xd: {  	[smem:$0x3FB1] =	sst s5  }
0xe: {  	[smem:$0x3FB2] =	sst s6  }
0xf: {  	[smem:$0x3FB3] =	sst s7  }
0x10: {  	[smem:$0x3FB4] =	sst s8  }
0x11: {  	[smem:$0x3FB5] =	sst s9;
	s0 =	simm.s32 @!p0 $0x0  }
0x12: {  	s1 =	sld [smem:$0x3F9B];
	s0 =	simm.s32 @p0 $0x1  }
0x13: {  	[smem:$0x3FB6] =	sst s0;
	s0 =	simm.s32 @!p1 $0x0  }
0x14: {  	s2 =	sld [smem:$0x3F9A];
	s0 =	simm.s32 @p1 $0x1  }
0x15: {  	[smem:$0x3FB7] =	sst s0;
	s0 =	simm.s32 @!p2 $0x0  }
0x16: {  	s3 =	sld [smem:$0x3FDB];
	s0 =	simm.s32 @p2 $0x1  }
0x17: {  	s4 =	simm.s32 $0x1BF5;
	[smem:$0x3FB9] =	sst s0  }
0x18: {  	s0 =	sld [smem:$0x3F9C];
	_ =	swait.ge [sflag:s4], $0x0  }
0x19: {  	s7 =	sld [smem:$0x3F9D]  }
0x1a: {  	s8 =	sadd.s32 $0xFFFFE003, lr  }
0x1b: {  	s9 =	sadd.s32 $0xFFFFFEF7, lr;
	s5 =	simm.s32 $0xFFFFFFFF;
	p2 =	slt.u32 s8, $0xFFFFF086  }
0x1c: {  	p1 =	slt.u32 s9, $0xF7A;
	s5 =	simm.s32 @!p2 $0x0  }
0x1d: {  	s5 =	simm.s32 @p1 $0x1;
	p0 =	seq.s32 s7, s2  }
0x1e: {  	s7 =	smul.u32 @!p0 $0xF7A, s2;
	p2 =	seq.s32 @!p0 s5, $0x0  }
0x1f: {  	s9 =	smul.u32 $0xF7A, s1;
	s8 =	simm.s32 @!p0 $0x1BF5;
	p2 =	por !p2, p0  }
0x20: {  	[sflag:s8] =	ssyncset.s32 @!p0 $0xFFFFF086;
	s6 =	sadd.s32 @!p0 s3, s7;
	s7 =	simm.s32 @!p0 $0x108  }
0x21: {  	s3 =	sadd.s32 s3, s9;
	s6 =	sadd.s32 @!p0 $0x88, s6;
	s7 =	simm.s32 @p2 $0x1082  }
0x22: {  	[simem:s7], [sflag:s8] =	dma.local @!p0 [hbm:s6], $0xF7A  }
0x23: {  	s9 =	sor.u32 $0xD0000000, s2;
	s6 =	simm.s32 $0x108;
	_ =	swait.ge @!p0 [sflag:s8], $0x0  }
0x24: {  	s3 =	sadd.s32 $0x88, s3;
	s6 =	simm.s32 @!p1 $0x1082;
	[sflag:s4] =	ssyncset.s32 $0xFFFFF086  }
0x25: {  	[simem:s6], [sflag:s4] =	dma.local [hbm:s3], $0xF7A  }
0x26: {  	[smem:$0x3F9D] =	sst s1;
	(tag) =	ssettag s2;
	_ =	strace s9  }
0x27: {  	s1 =	sld [smem:$0x3FAD]  }
0x28: {  	s2 =	sld [smem:$0x3FAE]  }
0x29: {  	s4 =	sld [smem:$0x3FB0]  }
0x2a: {  	p0 =	seq.s32 s5, $0x0;
	s5 =	sld [smem:$0x3FB1]  }
0x2b: {  	s6 =	sld [smem:$0x3FB2]  }
0x2c: {  	s7 =	sld [smem:$0x3FB3]  }
0x2d: {  	s3 =	simm.s32 $0x108;
	s8 =	sld [smem:$0x3FB4]  }
0x2e: {  	s3 =	simm.s32 @!p0 $0x1082;
	s9 =	sld [smem:$0x3FB5]  }
0x2f: {  	lr =	sadd.s32 s0, s3;
	s0 =	sld [smem:$0x3FAC]  }
0x30: {  	s3 =	sld [smem:$0x3FAF]  }
0x31: {  	[smem:$0x3FB8] =	sst s10  }
0x32: {  	s10 =	sld [smem:$0x3FB6];
	_ =	sdelay $0x3  }
0x33: {  	p0 =	seq.s32 s10, $0x1;
	s10 =	sld [smem:$0x3FB8];
	_ =	sdelay $0x3  }
0x34: {  	[smem:$0x3FB8] =	sst s10  }
0x35: {  	s10 =	sld [smem:$0x3FB7];
	_ =	sdelay $0x3  }
0x36: {  	p1 =	seq.s32 s10, $0x1;
	s10 =	sld [smem:$0x3FB8];
	_ =	sdelay $0x3  }
0x37: {  	[smem:$0x3FB8] =	sst s10  }
0x38: {  	s10 =	sld [smem:$0x3FB9]  }
0x39: {  	_ = 	snop;
	(pc) =	sbr.ind lr, $3  }
0x3a: {  	_ = 	snop  }
0x3b: {  	_ = 	snop  }
0x3c: {  	p2 =	seq.s32 s10, $0x1;
	s10 =	sld [smem:$0x3FB8]  }
0x3d: {  	_ =	shalt  }
0x3e: {  	_ =	shalt  }
0x3f: {  	_ =	shalt  }
0x40: {  	_ =	shalt  }
0x41: {  	_ =	shalt  }
0x42: {  	_ =	shalt  }
0x43: {  	_ =	shalt  }
0x44: {  	_ =	shalt  }
0x45: {  	_ =	shalt  }
0x46: {  	_ =	shalt  }
0x47: {  	_ =	shalt  }
0x48: {  	_ =	shalt  }
0x49: {  	_ =	shalt  }
0x4a: {  	_ =	shalt  }
0x4b: {  	_ =	shalt  }
0x4c: {  	_ =	shalt  }
0x4d: {  	_ =	shalt  }
0x4e: {  	_ =	shalt  }
0x4f: {  	_ =	shalt  }
0x50: {  	_ =	shalt  }
0x51: {  	_ =	shalt  }
0x52: {  	_ =	shalt  }
0x53: {  	_ =	shalt  }
0x54: {  	_ =	shalt  }
0x55: {  	_ =	shalt  }
0x56: {  	_ =	shalt  }
0x57: {  	_ =	shalt  }
0x58: {  	_ =	shalt  }
0x59: {  	_ =	shalt  }
0x5a: {  	_ =	shalt  }
0x5b: {  	_ =	shalt  }
0x5c: {  	_ =	shalt  }
0x5d: {  	_ =	shalt  }
0x5e: {  	_ =	shalt  }
0x5f: {  	_ =	shalt  }
0x60: {  	_ =	shalt  }
0x61: {  	_ =	shalt  }
0x62: {  	_ =	shalt  }
0x63: {  	_ =	shalt  }
0x64: {  	_ =	shalt  }
0x65: {  	_ =	shalt  }
0x66: {  	_ =	shalt  }
0x67: {  	_ =	shalt  }
0x68: {  	_ =	shalt  }
0x69: {  	_ =	shalt  }
0x6a: {  	_ =	shalt  }
0x6b: {  	_ =	shalt  }
0x6c: {  	_ =	shalt  }
0x6d: {  	_ =	shalt  }
0x6e: {  	_ =	shalt  }
0x6f: {  	_ =	shalt  }
0x70: {  	_ =	shalt  }
0x71: {  	_ =	shalt  }
0x72: {  	_ =	shalt  }
0x73: {  	_ =	shalt  }
0x74: {  	_ =	shalt  }
0x75: {  	_ =	shalt  }
0x76: {  	_ =	shalt  }
0x77: {  	_ =	shalt  }
0x78: {  	_ =	shalt  }
0x79: {  	_ =	shalt  }
0x7a: {  	_ =	shalt  }
0x7b: {  	_ =	shalt  }
0x7c: {  	_ =	shalt  }
0x7d: {  	_ =	shalt  }
0x7e: {  	_ =	shalt  }
0x7f: {  	_ =	shalt  }
0x80: {  	_ =	shalt  }
0x81: {  	_ =	shalt  }
0x82: {  	_ =	shalt  }
0x83: {  	_ =	shalt  }
0x84: {  	_ =	shalt  }
0x85: {  	_ =	shalt  }
0x86: {  	_ =	shalt  }
0x87: {  	_ =	shalt  }
.Lfunc_end0:
.L_simem_size_0:
called_computation_lowered:
.L_overlay_start_0:
0x88: {  	s2 =	sld [smem:$0x3FD9]  }
0x89: {  	s3 =	sld [smem:$0x3FFE];
	_ =	sdelay $0x1  }
0x8a: {  	s1 =	srdreg.scid  }
0x8b: {  	s0 =	sand.u32 $0x1, s1  }
0x8c: {  	s17 =	sshll.u32 s0, $0xA;
	s2 =	sadd.s32 s3, s2  }
0x8d: {  	s2 =	sadd.s32 s2, s17  }
0x8e: {  	[smem:$0x3FC4] =	sst s2  }
0x8f: {  	_ = 	snop  }
0x90: {  	s2 =	sld [smem:$0x3FC8];
	(tm) =	ssettm $0x1  }
0x91: {  	s18 =	sld [smem:$0x3FFB];
	_ =	sdelay $0x3  }
0x92: {  	_ =	strace s18  }
0x93: {  	s3 =	sld [smem:$0x3FFC];
	_ =	sdelay $0x3  }
0x94: {  	_ =	strace s3  }
0x95: {  	s3 =	sld [smem:$0x3FFD];
	_ =	sdelay $0x3  }
0x96: {  	_ =	strace s3  }
0x97: {  	_ =	strace $0x8FFFFFFF  }
0x98: {  	s19 =	sld [smem:$0x3FDB];
	_ =	sdelay $0x1  }
0x99: {  	s4 =	simm.s32 $_scs_section_size  }
0x9a: {  	s5 =	simm.s32 $_size__tile_overlayer_lowered;
	s6 =	simm.s32 $_tile_overlayer_lowered  }
0x9b: {  	s22 =	simm.s32 $0x1BFF;
	s21 =	sshll.u32 s6, $0x1;
	s3 =	sadd.s32 s4, s19  }
0x9c: {  	s7 =	simm.s32 $0x0;
	s20 =	sshll.u32 s5, $0x1;
	s5 =	sadd.s32 s21, s3  }
0x9d: {  	[timem:s7], [sflag:s22] =	dma.local [hbm:s5], s20  }
0x9e: {  	_ =	swait.ge [sflag:s22], s20  }
0x9f: {  	s4 =	ssub.s32 $0x0, s20;
	[sflag:s22] =	ssyncset.done $0x0  }
0xa0: {  	[sflag:s22] =	ssyncadd.s32 s4;
	_ =	sdelay $0x1  }
0xa1: {  	s23 =	simm.s32 $0x1B8B  }
0xa2: {  	_ =	swait.ge [sflag:s23], $0x1  }
0xa3: {  	[sflag:s23] =	ssyncset.done $0x0  }
0xa4: {  	s25 =	simm.s32 $0x1B8E;
	s24 =	sld [smem:$0x3FFE];
	[sflag:s23] =	ssyncadd.s32 $0xFFFFFFFF  }
0xa5: {  	s26 =	simm.s32 $execute0_lowered;
	[smem:$0x3FD2] =	sst s25  }
0xa6: {  	s5 =	sshll.u32 s26, $0x1;
	_ =	strace $0x80000046;
	[dreg:$0x1] =	wrdreg $0xFFFFFFFF  }
0xa7: {  	s28 =	simm.s32 $_size_execute0_lowered;
	s3 =	sadd.s32 s3, s5;
	[dreg:$0x0] =	wrdreg $0x0  }
0xa8: {  	s5 =	sshll.u32 s28, $0x1;
	[dreg:$0x2] =	wrdreg s3  }
0xa9: {  	[dreg:$0x3] =	wrdreg s5  }
0xaa: {  	[dreg:$0x4] =	wrdreg $0xC0  }
0xab: {  	_ =	task [dreg:s7], $0x5FFFF  }
0xac: {  	[dreg:$0x1] =	wrdreg $0xFFFFFFFF  }
0xad: {  	[dreg:$0x0] =	wrdreg $0x60  }
0xae: {  	[dreg:$0x2] =	wrdreg s24  }
0xaf: {  	[dreg:$0x3] =	wrdreg s2  }
0xb0: {  	[dreg:$0x4] =	wrdreg $0x15F500  }
0xb1: {  	[dreg:$0x5] =	wrdreg $0x9  }
0xb2: {  	_ =	task.clear_ibuf [dreg:s7], $0x6FFFF;
	_ =	strace $0x90000046  }
0xb3: {  	s29 =	simm.s32 $0x9;
	_ =	strace $0x80000048  }
0xb4: {  	_ =	swait.ge [sflag:s29], $0x1  }
0xb5: {  	[sflag:s29] =	ssyncadd.s32 $0xFFFFFFFF  }
0xb6: {  	_ =	strace $0x90000048  }
0xb7: {  	_ =	sfence  }
0xb8: {  	s30 =	sld [smem:$0x0];
	_ =	sdelay $0x2  }
0xb9: {  	s31 =	sshll.u32 s1, $0xD;
	s1 =	sshrl.u32 s1, $0x2  }
0xba: {  	s3 =	sand.u32 $0x4000, s31;
	s1 =	sadd.s32 s1, s30  }
0xbb: {  	s0 =	sor.u32 s3, s0;
	s1 =	sshll.u32 s1, $0x11  }
0xbc: {  	s0 =	sor.u32 s1, s0  }
0xbd: {  	s0 =	sadd.s32 $0x8F2B, s0  }
0xbe: {  	[sflag:s0] =	ssyncadd.remote.s32 $0x1  }
0xbf: {  	_ =	sfence.sel $0xFFFF  }
0xc0: {  	[dreg:$0x0] =	wrdreg $0xFFFFFFFF;
	(pc) =	sbr.abs _section_cstart, $3  }
0xc1: {  	[dreg:$0x1] =	wrdreg $0xFFFFFFFF  }
0xc2: {  	_ =	task.clear_ibuf [dreg:s7], $0x2FFFF;
	_ =	strace $0x9FFFFFFF  }
0xc3: {  	(tm) =	ssettm $0x7FFFFFFF  }
tec
execute0_lowered:
.L_overlay_start_1:
0x0: {  	(tag) =	ssettag $0x1  }
0x1: {  	s0 =	rddreg [dreg:$0x0]  }
0x2: {  	s1 =	rddreg [dreg:$0x1]  }
0x3: {  	s2 =	rddreg [dreg:$0x2];
	s3 =	simm.s32 $0x0;
	s4 =	srdreg.scid  }
0x4: {  	s11 =	stileid.u32;
	s28 =	simm.s32 $0x1;
	s29 =	simm.s32 $0x7D0  }
0x5: {  	s30 =	simm.s32 $0xFA0;
	s31 =	simm.s32 $0x1770;
	[smem:$0x7FF] =	sst s3  }
0x6: {  	v0 =	vimm.f32 $0.0e+00;
	vm0 =	vcmask $0x1F1C;
	vm1 =	vcmask $0xF0C;
	s7 =	sand.u32 $0x1, s4;
	s8 =	sshll.u32 s11, $0xA;
	s4 =	sadd.s32 $0xC4600, s0  }
0x7: {  	v1 =	vimm.s32 $0x0;
	vm2 =	vcmask $0x300;
	v3 =	vimm.s32 $0x76543210;
	s5 =	sadd.s32 $0x62A00, s0;
	s10 =	sshll.u32 s11, $0x1;
	s11 =	sshll.u32 s11, $0xE  }
0x8: {  	vm3 =	vcmask $0xF08;
	v2 =	vlaneseq.u32;
	v4 =	vimm.s32 $0xFEDCBA98;
	_ =	strace $0x80000047;
	s6 =	sshll.u32 s7, $0xE;
	s13 =	ssub.s32 $0x2, s7  }
0x9: {  	v5 =	vimm.s32 $0xBA98FEDC;
	v6 =	vimm.s32 $0x32107654;
	vm0 =	vmor vm1, vm0;
	s7 =	sor.u32 s7, s10;
	s9 =	sor.u32 s8, s6;
	s6 =	sadd.s32 $0xE00, s0  }
0xa: {  	vm1 =	vcmask $0x2F2C;
	v1 =	vsel vm2, $0x3, v1;
	v4 =	vunpack.c.l.s4.s8 v4;
	s14 =	sshrl.u32 s13, $0x1;
	s7 =	smul.u32 $0x186A0, s7;
	s8 =	sadd.s32 s8, s2  }
0xb: {  	v5 =	vunpack.c.l.s4.s8 v5;
	vm0 =	vmor vm0, vm1;
	vm1 =	vcmask $0x3F3C;
	s9 =	sshrl.u32 s9, $0x3;
	s12 =	sadd.s32 $0x4000, s8;
	s22 =	sadd.s32 $0x8000, s8  }
0xc: {  	v6 =	vunpack.c.l.s4.s8 v6;
	v3 =	vunpack.c.l.s4.s8 v3;
	vm0 =	vmor vm0, vm1;
	s23 =	sadd.s32 $0xC000, s8;
	s24 =	sadd.s32 $0x10000, s8;
	[dreg:$0x4] =	wrdreg s12  }
0xd: {  	vm1 =	vcmask $0x1F18;
	v4 =	vunpack.c.0.s8.s32 v4;
	v5 =	vunpack.c.0.s8.s32 v5;
	s25 =	sadd.s32 $0x14000, s8;
	s26 =	sadd.s32 $0x18000, s8;
	[dreg:$0x5] =	wrdreg s22  }
0xe: {  	v7 =	vunpack.c.0.s8.s32 v6;
	s15 =	sadd.s32 $0x1C000, s8;
	s16 =	sadd.s32 $0x20000, s8;
	vm1 =	vmor vm3, vm1;
	vm3 =	vcmask $0x2F28;
	[dreg:$0x6] =	wrdreg s23  }
0xf: {  	v6 =	vunpack.c.0.s8.s32 v3;
	v3 =	vshrl.u32 v2, $0x2;
	s17 =	sadd.s32 $0x24000, s8;
	s18 =	sadd.s32 $0x28000, s8;
	[dreg:$0x7] =	wrdreg s24;
	vm1 =	vmor vm1, vm3  }
0x10: {  	s19 =	sadd.s32 $0x2C000, s8;
	s20 =	sadd.s32 $0x30000, s8;
	[dreg:$0x8] =	wrdreg s25;
	vm3 =	vcmask $0x3F38;
	v4 =	vand.u32 $0xF, v4;
	v8 =	vcombine.low v7, v5  }
0x11: {  	s21 =	sadd.s32 $0x34000, s8;
	s0 =	sadd.s32 s9, s0;
	[dreg:$0x9] =	wrdreg s26;
	v9 =	vand.u32 $0xF, v5;
	vm1 =	vmor vm1, vm3;
	vm3 =	vcmask $0x1310  }
0x12: {  	s22 =	sadd.s32 $0x38000, s8;
	s9 =	ssub.s32 s13, s14;
	s23 =	sadd.s32 s11, s2;
	v5 =	vor.u32 $0x4, v3;
	vm2 =	vmor vm2, vm3;
	vm3 =	vcmask $0x2320  }
0x13: {  	s26 =	sadd.s32 $0x3C000, s8;
	s2 =	simm.s32 $0x11F40;
	s24 =	sadd.s32 $0x126200, s0;
	v4 =	vcombine.low v4, v6;
	vm2 =	vmor vm2, vm3;
	vm3 =	vcmask $0x3330  }
0x14: {  	s25 =	smax.u32 s9, $0x1;
	s0 =	simm.s32 $0x1F40;
	v7 =	vcombine.low v9, v7;
	s9 =	simm.s32 $0x0;
	v6 =	vand.u32 $0xF, v8;
	vm2 =	vmor vm2, vm3  }
.LBB2_1:
0x15: {  	s10 =	simm.s32 $0x0  }
.LBB2_2:
0x16: {  	p0 =	sne.s32 s10, $0x3FFC0  }
.Ltmp0:
0x17: {  	_ = 	snop;
	(pc) =	sbr.rel @p0 .LBB2_2-.Ltmp0, $3  }
0x18: {  	_ =	sdelay $0x1  }
0x19: {  	s11 =	sshra.s32 s10, $0x2  }
0x1a: {  	s10 =	sadd.s32 $0x40, s10;
	[tilespmem:s11+$0x1F40] =	vst v0  }
0x1b: {  	s10 =	simm.s32 $0x0  }
.LBB2_4:
0x1c: {  	s11 =	smul.u32 $0x7D0, s10;
	_ =	sdelay $0x1  }
0x1d: {  	s11 =	sadd.s32 s7, s11  }
0x1e: {  	s11 =	sshrl.u32 s11, $0x3  }
0x1f: {  	s12 =	sadd.s32 s4, s11  }
0x20: {  	[tilespmem:s3], [sflag:$0x1] =	stream.linear.gather [hbm4b:s12+s3], $0x7D0, $0x38;
	[tilespmem:$0x19F50] =	vst v63  }
0x21: {  	_ =	swait.ge [sflag:s28], $0x7D0  }
0x22: {  	[sflag:s28] =	ssyncset.done $0x0  }
0x23: {  	s14 =	sadd.s32 s5, s11;
	[sflag:s28] =	ssyncadd.s32 $0xFFFFF830  }
0x24: {  	[tilespmem:s29], [sflag:$0x1] =	stream.linear.gather [hbm4b:s14+s3], $0x7D0, $0x38;
	[tilespmem:$0x19F50] =	vst v63  }
0x25: {  	s13 =	simm.s32 $0x0;
	_ =	swait.ge [sflag:s28], $0x7D0  }
0x26: {  	v8 =	vmov s13;
	[sflag:s28] =	ssyncset.done $0x0  }
0x27: {  	v8 =	vshrl.u32 v8, $0x3;
	s14 =	sadd.s32 s6, s11;
	[sflag:s28] =	ssyncadd.s32 $0xFFFFF830  }
0x28: {  	v8 =	vshll.u32 v8, v1;
	[tilespmem:s30], [sflag:$0x1] =	stream.linear.gather [hbm4b:s14+s3], $0x7D0, $0x38;
	[tilespmem:$0x19F50] =	vst v63  }
0x29: {  	v8 =	vbroadcast v8, $0x0;
	_ =	swait.ge [sflag:s28], $0x7D0  }
0x2a: {  	[sflag:s28] =	ssyncset.done $0x0  }
0x2b: {  	v9 =	vor.u32 v3, v8;
	s11 =	sadd.s32 s1, s11;
	[sflag:s28] =	ssyncadd.s32 $0xFFFFF830  }
0x2c: {  	[tilespmem:s31], [sflag:$0x1] =	stream.linear.gather [hbm4b:s11+s3], $0x7D0, $0x38;
	[tilespmem:$0x19F50] =	vst v63  }
0x2d: {  	_ =	swait.ge [sflag:s28], $0x7D0  }
0x2e: {  	[sflag:s28] =	ssyncset.done $0x0  }
0x2f: {  	[sflag:s28] =	ssyncadd.s32 $0xFFFFF830  }
0x30: {  	v10 =	vld.idx.msk [tilespmem:v9+s31+$0x0], $0xffff;
	_ =	sdelay $0x2  }
0x31: {  	v11 =	vld.idx.msk [tilespmem:v9+s30+$0x0], $0xffff  }
0x32: {  	v12 =	vld.idx.msk [tilespmem:v9+s29+$0x0], $0xffff  }
0x33: {  	v9 =	vld.idx.msk [tilespmem:v9+s3+$0x0], $0xffff;
	v10 =	vshll.u32 v10, $0x4  }
0x34: {  	v10 =	vor.u32 v2, v10  }
0x35: {  	v8 =	vor.u32 v5, v8  }
0x36: {  	v11 =	vsel vm0, $0x3F800000, v11  }
0x37: {  	v11 =	vsel vm1, v11, v12  }
0x38: {  	v9 =	vsel vm2, v9, v11  }
0x39: {  	[tilespmem:v10+s0+$0x0] =	vst.idx.add.f32.msk $0xffff, v9  }
0x3a: {  	v9 =	vld.idx.msk [tilespmem:v8+s31+$0x0], $0xffff  }
0x3b: {  	s12 =	simm.s32 $0x8  }
0x3c: {  	v10 =	vmov s12  }
0x3d: {  	v11 =	vld.idx.msk [tilespmem:v8+s30+$0x0], $0xffff;
	v10 =	vshrl.u32 v10, $0x3  }
0x3e: {  	v61 =	vld.idx.msk [tilespmem:v8+s29+$0x0], $0xffff;
	v10 =	vshll.u32 v10, v1  }
0x3f: {  	v8 =	vld.idx.msk [tilespmem:v8+s3+$0x0], $0xffff;
	v10 =	vbroadcast v10, $0x0;
	v9 =	vshll.u32 v9, $0x4  }
0x40: {  	v9 =	vor.u32 v2, v9  }
0x41: {  	v10 =	vor.u32 v3, v10  }
0x42: {  	v11 =	vsel vm0, $0x3F800000, v11  }
0x43: {  	v11 =	vsel vm1, v11, v61  }
0x44: {  	v8 =	vsel vm2, v8, v11  }
0x45: {  	[tilespmem:v9+s0+$0x0] =	vst.idx.add.f32.msk $0xffff, v8  }
0x46: {  	v8 =	vld.idx.msk [tilespmem:v10+s31+$0x0], $0xffff  }
0x47: {  	s13 =	simm.s32 $0xC  }
0x48: {  	v9 =	vmov s13  }
0x49: {  	v11 =	vld.idx.msk [tilespmem:v10+s30+$0x0], $0xffff;
	v9 =	vshrl.u32 v9, $0x3  }
0x4a: {  	v62 =	vld.idx.msk [tilespmem:v10+s29+$0x0], $0xffff;
	v9 =	vshll.u32 v9, v1  }
0x4b: {  	v10 =	vld.idx.msk [tilespmem:v10+s3+$0x0], $0xffff;
	v9 =	vbroadcast v9, $0x0;
	v8 =	vshll.u32 v8, $0x4  }
0x4c: {  	v8 =	vor.u32 v2, v8  }
0x4d: {  	v9 =	vor.u32 v5, v9  }
0x4e: {  	v11 =	vsel vm0, $0x3F800000, v11  }
0x4f: {  	v11 =	vsel vm1, v11, v62  }
0x50: {  	v10 =	vsel vm2, v10, v11  }
0x51: {  	[tilespmem:v8+s0+$0x0] =	vst.idx.add.f32.msk $0xffff, v10  }
0x52: {  	v10 =	vld.idx.msk [tilespmem:v9+s31+$0x0], $0xffff  }
0x53: {  	s14 =	simm.s32 $0x10;
	v11 =	vld.idx.msk [tilespmem:v9+s30+$0x0], $0xffff  }
0x54: {  	v8 =	vmov s14;
	v63 =	vld.idx.msk [tilespmem:v9+s29+$0x0], $0xffff  }
0x55: {  	v8 =	vshrl.u32 v8, $0x3  }
0x56: {  	v8 =	vshll.u32 v8, v1  }
0x57: {  	v13 =	vld.idx.msk [tilespmem:v9+s3+$0x0], $0xffff;
	v8 =	vbroadcast v8, $0x0;
	v10 =	vshll.u32 v10, $0x4  }
0x58: {  	v9 =	vsel vm0, $0x3F800000, v11;
	v10 =	vor.u32 v2, v10  }
0x59: {  	v11 =	vsel vm1, v9, v63;
	v9 =	vor.u32 v3, v8;
	_ =	sdelay $0x2  }
0x5a: {  	s11 =	simm.s32 $0x1C;
	s12 =	simm.s32 $0x2C;
	v11 =	vsel vm2, v13, v11  }
.LBB2_5:
0x5b: {  	p0 =	sne.s32 s12, $0x7CC;
	[tilespmem:v10+s0+$0x0] =	vst.idx.add.f32.msk $0xffff, v11;
	s13 =	smov.u32 s12;
	s12 =	sadd.s32 $0x10, s12  }
0x5c: {  	v10 =	vld.idx.msk [tilespmem:v9+s31+$0x0], $0xffff;
	_ =	sdelay $0x2  }
0x5d: {  	v11 =	vld.idx.msk [tilespmem:v9+s30+$0x0], $0xffff  }
0x5e: {  	v12 =	vld.idx.msk [tilespmem:v9+s29+$0x0], $0xffff  }
0x5f: {  	v9 =	vld.idx.msk [tilespmem:v9+s3+$0x0], $0xffff  }
0x60: {  	v10 =	vshll.u32 v10, $0x4  }
0x61: {  	v10 =	vor.u32 v2, v10  }
0x62: {  	v8 =	vor.u32 v5, v8  }
0x63: {  	v11 =	vsel vm0, $0x3F800000, v11  }
0x64: {  	v11 =	vsel vm1, v11, v12  }
0x65: {  	v9 =	vsel vm2, v9, v11  }
0x66: {  	[tilespmem:v10+s0+$0x0] =	vst.idx.add.f32.msk $0xffff, v9  }
0x67: {  	v9 =	vld.idx.msk [tilespmem:v8+s31+$0x0], $0xffff;
	_ =	sdelay $0x1  }
0x68: {  	s14 =	sadd.s32 $0xFFFFFFFC, s11  }
0x69: {  	v11 =	vmov s14;
	v10 =	vld.idx.msk [tilespmem:v8+s30+$0x0], $0xffff  }
0x6a: {  	v11 =	vshrl.u32 v11, $0x3;
	v12 =	vld.idx.msk [tilespmem:v8+s29+$0x0], $0xffff  }
0x6b: {  	v11 =	vshll.u32 v11, v1;
	v8 =	vld.idx.msk [tilespmem:v8+s3+$0x0], $0xffff  }
0x6c: {  	v11 =	vbroadcast v11, $0x0;
	v9 =	vshll.u32 v9, $0x4  }
0x6d: {  	v9 =	vor.u32 v2, v9  }
0x6e: {  	v11 =	vor.u32 v3, v11  }
0x6f: {  	v10 =	vsel vm0, $0x3F800000, v10  }
0x70: {  	v10 =	vsel vm1, v10, v12  }
0x71: {  	v8 =	vsel vm2, v8, v10  }
0x72: {  	[tilespmem:v9+s0+$0x0] =	vst.idx.add.f32.msk $0xffff, v8  }
0x73: {  	v8 =	vld.idx.msk [tilespmem:v11+s31+$0x0], $0xffff;
	_ =	sdelay $0x2  }
0x74: {  	v10 =	vmov s11;
	s11 =	smov.u32 s13;
	v9 =	vld.idx.msk [tilespmem:v11+s30+$0x0], $0xffff  }
0x75: {  	v10 =	vshrl.u32 v10, $0x3;
	v12 =	vld.idx.msk [tilespmem:v11+s29+$0x0], $0xffff  }
0x76: {  	v10 =	vshll.u32 v10, v1;
	v11 =	vld.idx.msk [tilespmem:v11+s3+$0x0], $0xffff  }
0x77: {  	v10 =	vbroadcast v10, $0x0;
	v8 =	vshll.u32 v8, $0x4  }
0x78: {  	v8 =	vor.u32 v2, v8  }
0x79: {  	v10 =	vor.u32 v5, v10  }
0x7a: {  	v9 =	vsel vm0, $0x3F800000, v9  }
0x7b: {  	v9 =	vsel vm1, v9, v12  }
0x7c: {  	v9 =	vsel vm2, v11, v9  }
0x7d: {  	[tilespmem:v8+s0+$0x0] =	vst.idx.add.f32.msk $0xffff, v9  }
0x7e: {  	v9 =	vld.idx.msk [tilespmem:v10+s31+$0x0], $0xffff  }
0x7f: {  	v11 =	vld.idx.msk [tilespmem:v10+s30+$0x0], $0xffff  }
0x80: {  	s13 =	sadd.s32 $0xFFFFFFF4, s11;
	v12 =	vld.idx.msk [tilespmem:v10+s29+$0x0], $0xffff  }
0x81: {  	v8 =	vmov s13;
	v13 =	vld.idx.msk [tilespmem:v10+s3+$0x0], $0xffff  }
0x82: {  	v8 =	vshrl.u32 v8, $0x3  }
0x83: {  	v8 =	vshll.u32 v8, v1  }
0x84: {  	v8 =	vbroadcast v8, $0x0;
	v9 =	vshll.u32 v9, $0x4  }
.Ltmp1:
0x85: {  	v11 =	vsel vm0, $0x3F800000, v11;
	v10 =	vor.u32 v2, v9;
	(pc) =	sbr.rel @p0 .LBB2_5-.Ltmp1, $2  }
0x86: {  	v9 =	vor.u32 v3, v8;
	v11 =	vsel vm1, v11, v12;
	_ =	sdelay $0x2  }
0x87: {  	v11 =	vsel vm2, v13, v11  }
0x88: {  	_ =	sdelay $0x3  }
0x89: {  	[tilespmem:v10+s0+$0x0] =	vst.idx.add.f32.msk $0xffff, v11  }
0x8a: {  	v10 =	vld.idx.msk [tilespmem:v9+s31+$0x0], $0xffff;
	_ =	sdelay $0x2  }
0x8b: {  	v11 =	vld.idx.msk [tilespmem:v9+s30+$0x0], $0xffff  }
0x8c: {  	v12 =	vld.idx.msk [tilespmem:v9+s29+$0x0], $0xffff  }
0x8d: {  	v56 =	vld.idx.msk [tilespmem:v9+s3+$0x0], $0xffff;
	v10 =	vshll.u32 v10, $0x4  }
0x8e: {  	v10 =	vor.u32 v2, v10  }
0x8f: {  	v8 =	vor.u32 v5, v8  }
0x90: {  	v11 =	vsel vm0, $0x3F800000, v11  }
0x91: {  	v11 =	vsel vm1, v11, v12  }
0x92: {  	v9 =	vsel vm2, v56, v11  }
0x93: {  	[tilespmem:v10+s0+$0x0] =	vst.idx.add.f32.msk $0xffff, v9  }
0x94: {  	v9 =	vld.idx.msk [tilespmem:v8+s31+$0x0], $0xffff  }
0x95: {  	s12 =	sadd.s32 $0xFFFFFFFC, s11  }
0x96: {  	v57 =	vmov s12  }
0x97: {  	v10 =	vshrl.u32 v57, $0x3;
	v58 =	vld.idx.msk [tilespmem:v8+s30+$0x0], $0xffff  }
0x98: {  	v59 =	vld.idx.msk [tilespmem:v8+s29+$0x0], $0xffff;
	v10 =	vshll.u32 v10, v1  }
0x99: {  	v8 =	vld.idx.msk [tilespmem:v8+s3+$0x0], $0xffff;
	v10 =	vbroadcast v10, $0x0;
	v9 =	vshll.u32 v9, $0x4  }
0x9a: {  	v9 =	vor.u32 v2, v9  }
0x9b: {  	v10 =	vor.u32 v3, v10  }
0x9c: {  	v11 =	vsel vm0, $0x3F800000, v58  }
0x9d: {  	v11 =	vsel vm1, v11, v59  }
0x9e: {  	v8 =	vsel vm2, v8, v11  }
0x9f: {  	[tilespmem:v9+s0+$0x0] =	vst.idx.add.f32.msk $0xffff, v8  }
0xa0: {  	v8 =	vld.idx.msk [tilespmem:v10+s31+$0x0], $0xffff;
	_ =	sdelay $0x1  }
0xa1: {  	v60 =	vmov s11  }
0xa2: {  	v9 =	vshrl.u32 v60, $0x3;
	v61 =	vld.idx.msk [tilespmem:v10+s30+$0x0], $0xffff  }
0xa3: {  	v62 =	vld.idx.msk [tilespmem:v10+s29+$0x0], $0xffff;
	v9 =	vshll.u32 v9, v1  }
0xa4: {  	v10 =	vld.idx.msk [tilespmem:v10+s3+$0x0], $0xffff;
	v9 =	vbroadcast v9, $0x0;
	v8 =	vshll.u32 v8, $0x4  }
0xa5: {  	v8 =	vor.u32 v2, v8  }
0xa6: {  	v9 =	vor.u32 v5, v9  }
0xa7: {  	v11 =	vsel vm0, $0x3F800000, v61  }
0xa8: {  	v11 =	vsel vm1, v11, v62  }
0xa9: {  	v10 =	vsel vm2, v10, v11  }
0xaa: {  	[tilespmem:v8+s0+$0x0] =	vst.idx.add.f32.msk $0xffff, v10  }
0xab: {  	v8 =	vld.idx.msk [tilespmem:v9+s31+$0x0], $0xffff;
	_ =	sdelay $0x2  }
0xac: {  	v10 =	vld.idx.msk [tilespmem:v9+s30+$0x0], $0xffff  }
0xad: {  	v63 =	vld.idx.msk [tilespmem:v9+s29+$0x0], $0xffff  }
0xae: {  	s10 =	sadd.s32 $0x1, s10;
	v9 =	vld.idx.msk [tilespmem:v9+s3+$0x0], $0xffff;
	v8 =	vshll.u32 v8, $0x4  }
0xaf: {  	p0 =	sne.s32 s10, $0x32;
	v8 =	vor.u32 v2, v8  }
.Ltmp2:
0xb0: {  	_ = 	snop;
	(pc) =	sbr.rel @p0 .LBB2_4-.Ltmp2, $4  }
0xb1: {  	v10 =	vsel vm0, $0x3F800000, v10  }
0xb2: {  	v10 =	vsel vm1, v10, v63  }
0xb3: {  	v9 =	vsel vm2, v9, v10  }
0xb4: {  	[tilespmem:v8+s0+$0x0] =	vst.idx.add.f32.msk $0xffff, v9  }
0xb5: {  	s10 =	simm.s32 $0x0  }
0xb6: {  	v8 =	vor.u32 s10, v4  }
0xb7: {  	v9 =	vor.u32 s10, v6  }
0xb8: {  	v10 =	vor.u32 s10, v7  }
0xb9: {  	s11 =	simm.s32 $0x1F40  }
0xba: {  	v11 =	vld [tilespmem:s11+$0x0]  }
0xbb: {  	v8 =	vld.idx.msk [tilespmem:v8+s0+$0x0], $0xffff  }
0xbc: {  	v9 =	vld.idx.msk [tilespmem:v9+s0+$0x0], $0xffff  }
0xbd: {  	v10 =	vld.idx.msk [tilespmem:v10+s0+$0x0], $0xffff;
	_ =	sdelay $0x3  }
0xbe: {  	s12 =	simm.s32 $0x10;
	v12 =	vadd.f32 v8, v11;
	v8 =	vadd.s32 s10, v2  }
0xbf: {  	v13 =	vadd.f32 v10, v9;
	v9 =	vor.u32 s12, v4  }
0xc0: {  	v10 =	vor.u32 s12, v6  }
0xc1: {  	v11 =	vor.u32 s12, v7;
	s12 =	simm.s32 $0x20;
	v12 =	vadd.f32 v13, v12  }
.LBB2_8:
0xc2: {  	p0 =	sne.s32 s12, $0xFFF0  }
0xc3: {  	[tilespmem:v8+s2+$0x0] =	vst.idx.msk $0xf, v12  }
0xc4: {  	v12 =	vld.idx.msk [tilespmem:v9+s0+$0x0], $0xffff  }
0xc5: {  	v10 =	vld.idx.msk [tilespmem:v10+s0+$0x0], $0xffff  }
0xc6: {  	s11 =	sadd.s32 $0x10, s11;
	v11 =	vld.idx.msk [tilespmem:v11+s0+$0x0], $0xffff  }
0xc7: {  	v13 =	vld [tilespmem:s11+$0x0];
	_ =	sdelay $0x2  }
.Ltmp3:
0xc8: {  	s10 =	sadd.s32 $0x4, s10;
	(pc) =	sbr.rel @p0 .LBB2_8-.Ltmp3, $4  }
0xc9: {  	v8 =	vadd.s32 s10, v2  }
0xca: {  	v9 =	vor.u32 s12, v4;
	v12 =	vadd.f32 v12, v13;
	v13 =	vadd.f32 v11, v10  }
0xcb: {  	v10 =	vor.u32 s12, v6  }
0xcc: {  	v11 =	vor.u32 s12, v7;
	s12 =	sadd.s32 $0x10, s12;
	v12 =	vadd.f32 v13, v12  }
0xcd: {  	_ =	sdelay $0x3  }
0xce: {  	[tilespmem:v8+s2+$0x0] =	vst.idx.msk $0xf, v12  }
0xcf: {  	v8 =	vld.idx.msk [tilespmem:v9+s0+$0x0], $0xffff  }
0xd0: {  	v9 =	vld.idx.msk [tilespmem:v10+s0+$0x0], $0xffff  }
0xd1: {  	s11 =	sadd.s32 $0x10, s11;
	v10 =	vld.idx.msk [tilespmem:v11+s0+$0x0], $0xffff  }
0xd2: {  	v11 =	vld [tilespmem:s11+$0x0];
	_ =	sdelay $0x2  }
0xd3: {  	s10 =	sadd.s32 $0x4, s10  }
0xd4: {  	v12 =	vadd.s32 s10, v2  }
0xd5: {  	v8 =	vadd.f32 v8, v11;
	v9 =	vadd.f32 v10, v9;
	_ =	sdelay $0x1  }
0xd6: {  	v8 =	vadd.f32 v9, v8;
	_ =	sdelay $0x1  }
0xd7: {  	[tilespmem:v12+s2+$0x0] =	vst.idx.msk $0xf, v8  }
0xd8: {  	[spmem:s23] =	stream.linear.scatter [tilespmem:s2], [sflag:$0x1], $0x4000, $0x38;
	[tilespmem:$0x19F50] =	vst v63  }
0xd9: {  	_ =	swait.ge [sflag:s28], $0x4000  }
0xda: {  	[sflag:s28] =	ssyncset.done $0x0  }
0xdb: {  	[sflag:s28] =	ssyncadd.s32 $0xFFFFC000  }
0xdc: {  	[bflag:$0x0] =	sbarrier.arrive $0xFFFF  }
0xdd: {  	[tilespmem:s0], [sflag:$0x1] =	stream.linear.gather [spmem:s8], $0x400, $0x38;
	[tilespmem:$0x19F50] =	vst v63  }
0xde: {  	_ =	swait.ge [sflag:s28], $0x400  }
0xdf: {  	[sflag:s28] =	ssyncset.done $0x0  }
0xe0: {  	s14 =	simm.s32 $0x2340;
	s13 =	rddreg [dreg:$0x4];
	[sflag:s28] =	ssyncadd.s32 $0xFFFFFC00  }
0xe1: {  	[tilespmem:s14], [sflag:$0x1] =	stream.linear.gather [spmem:s13], $0x400, $0x38;
	[tilespmem:$0x19F50] =	vst v63  }
0xe2: {  	_ =	swait.ge [sflag:s28], $0x400  }
0xe3: {  	[sflag:s28] =	ssyncset.done $0x0  }
0xe4: {  	s12 =	simm.s32 $0x2740;
	s11 =	rddreg [dreg:$0x5];
	[sflag:s28] =	ssyncadd.s32 $0xFFFFFC00  }
0xe5: {  	[tilespmem:s12], [sflag:$0x1] =	stream.linear.gather [spmem:s11], $0x400, $0x38;
	[tilespmem:$0x19F50] =	vst v63  }
0xe6: {  	_ =	swait.ge [sflag:s28], $0x400  }
0xe7: {  	[sflag:s28] =	ssyncset.done $0x0  }
0xe8: {  	s14 =	simm.s32 $0x2B40;
	s13 =	rddreg [dreg:$0x6];
	[sflag:s28] =	ssyncadd.s32 $0xFFFFFC00  }
0xe9: {  	[tilespmem:s14], [sflag:$0x1] =	stream.linear.gather [spmem:s13], $0x400, $0x38;
	[tilespmem:$0x19F50] =	vst v63  }
0xea: {  	_ =	swait.ge [sflag:s28], $0x400  }
0xeb: {  	[sflag:s28] =	ssyncset.done $0x0  }
0xec: {  	s12 =	simm.s32 $0x2F40;
	s11 =	rddreg [dreg:$0x7];
	[sflag:s28] =	ssyncadd.s32 $0xFFFFFC00  }
0xed: {  	[tilespmem:s12], [sflag:$0x1] =	stream.linear.gather [spmem:s11], $0x400, $0x38;
	[tilespmem:$0x19F50] =	vst v63  }
0xee: {  	_ =	swait.ge [sflag:s28], $0x400  }
0xef: {  	[sflag:s28] =	ssyncset.done $0x0  }
0xf0: {  	s14 =	simm.s32 $0x3340;
	s13 =	rddreg [dreg:$0x8];
	[sflag:s28] =	ssyncadd.s32 $0xFFFFFC00  }
0xf1: {  	[tilespmem:s14], [sflag:$0x1] =	stream.linear.gather [spmem:s13], $0x400, $0x38;
	[tilespmem:$0x19F50] =	vst v63  }
0xf2: {  	_ =	swait.ge [sflag:s28], $0x400  }
0xf3: {  	[sflag:s28] =	ssyncset.done $0x0  }
0xf4: {  	s13 =	simm.s32 $0x3740;
	s12 =	rddreg [dreg:$0x9];
	[sflag:s28] =	ssyncadd.s32 $0xFFFFFC00  }
0xf5: {  	[tilespmem:s13], [sflag:$0x1] =	stream.linear.gather [spmem:s12], $0x400, $0x38;
	[tilespmem:$0x19F50] =	vst v63  }
0xf6: {  	_ =	swait.ge [sflag:s28], $0x400  }
0xf7: {  	[sflag:s28] =	ssyncset.done $0x0  }
0xf8: {  	s14 =	simm.s32 $0x3B40;
	[sflag:s28] =	ssyncadd.s32 $0xFFFFFC00  }
0xf9: {  	[tilespmem:s14], [sflag:$0x1] =	stream.linear.gather [spmem:s15], $0x400, $0x38;
	[tilespmem:$0x19F50] =	vst v63  }
0xfa: {  	_ =	swait.ge [sflag:s28], $0x400  }
0xfb: {  	[sflag:s28] =	ssyncset.done $0x0  }
0xfc: {  	s11 =	simm.s32 $0x3F40;
	[sflag:s28] =	ssyncadd.s32 $0xFFFFFC00  }
0xfd: {  	[tilespmem:s11], [sflag:$0x1] =	stream.linear.gather [spmem:s16], $0x400, $0x38;
	[tilespmem:$0x19F50] =	vst v63  }
0xfe: {  	_ =	swait.ge [sflag:s28], $0x400  }
0xff: {  	[sflag:s28] =	ssyncset.done $0x0  }
0x100: {  	s12 =	simm.s32 $0x4340;
	[sflag:s28] =	ssyncadd.s32 $0xFFFFFC00  }
0x101: {  	[tilespmem:s12], [sflag:$0x1] =	stream.linear.gather [spmem:s17], $0x400, $0x38;
	[tilespmem:$0x19F50] =	vst v63  }
0x102: {  	_ =	swait.ge [sflag:s28], $0x400  }
0x103: {  	[sflag:s28] =	ssyncset.done $0x0  }
0x104: {  	s13 =	simm.s32 $0x4740;
	[sflag:s28] =	ssyncadd.s32 $0xFFFFFC00  }
0x105: {  	[tilespmem:s13], [sflag:$0x1] =	stream.linear.gather [spmem:s18], $0x400, $0x38;
	[tilespmem:$0x19F50] =	vst v63  }
0x106: {  	_ =	swait.ge [sflag:s28], $0x400  }
0x107: {  	[sflag:s28] =	ssyncset.done $0x0  }
0x108: {  	s14 =	simm.s32 $0x4B40;
	[sflag:s28] =	ssyncadd.s32 $0xFFFFFC00  }
0x109: {  	[tilespmem:s14], [sflag:$0x1] =	stream.linear.gather [spmem:s19], $0x400, $0x38;
	[tilespmem:$0x19F50] =	vst v63  }
0x10a: {  	_ =	swait.ge [sflag:s28], $0x400  }
0x10b: {  	[sflag:s28] =	ssyncset.done $0x0  }
0x10c: {  	s11 =	simm.s32 $0x4F40;
	[sflag:s28] =	ssyncadd.s32 $0xFFFFFC00  }
0x10d: {  	[tilespmem:s11], [sflag:$0x1] =	stream.linear.gather [spmem:s20], $0x400, $0x38;
	[tilespmem:$0x19F50] =	vst v63  }
0x10e: {  	_ =	swait.ge [sflag:s28], $0x400  }
0x10f: {  	[sflag:s28] =	ssyncset.done $0x0  }
0x110: {  	s12 =	simm.s32 $0x5340;
	[sflag:s28] =	ssyncadd.s32 $0xFFFFFC00  }
0x111: {  	[tilespmem:s12], [sflag:$0x1] =	stream.linear.gather [spmem:s21], $0x400, $0x38;
	[tilespmem:$0x19F50] =	vst v63  }
0x112: {  	_ =	swait.ge [sflag:s28], $0x400  }
0x113: {  	[sflag:s28] =	ssyncset.done $0x0  }
0x114: {  	s13 =	simm.s32 $0x5740;
	[sflag:s28] =	ssyncadd.s32 $0xFFFFFC00  }
0x115: {  	[tilespmem:s13], [sflag:$0x1] =	stream.linear.gather [spmem:s22], $0x400, $0x38;
	[tilespmem:$0x19F50] =	vst v63  }
0x116: {  	_ =	swait.ge [sflag:s28], $0x400  }
0x117: {  	[sflag:s28] =	ssyncset.done $0x0  }
0x118: {  	s14 =	simm.s32 $0x5B40;
	[sflag:s28] =	ssyncadd.s32 $0xFFFFFC00  }
0x119: {  	[tilespmem:s14], [sflag:$0x1] =	stream.linear.gather [spmem:s26], $0x400, $0x38;
	[tilespmem:$0x19F50] =	vst v63  }
0x11a: {  	_ =	swait.ge [sflag:s28], $0x400  }
0x11b: {  	[sflag:s28] =	ssyncset.done $0x0  }
0x11c: {  	s11 =	simm.s32 $0x0;
	[sflag:s28] =	ssyncadd.s32 $0xFFFFFC00  }
0x11d: {  	v8 =	vld [tilespmem:s11+$0x1F40];
	_ =	sdelay $0x1  }
0x11e: {  	v9 =	vld [tilespmem:s11+$0x2340];
	_ =	sdelay $0x1  }
0x11f: {  	v10 =	vld [tilespmem:s11+$0x2740]  }
0x120: {  	v8 =	vadd.f32 $0.0e+00, v8  }
0x121: {  	v11 =	vld [tilespmem:s11+$0x2B40]  }
0x122: {  	v8 =	vadd.f32 v9, v8  }
0x123: {  	v9 =	vld [tilespmem:s11+$0x2F40]  }
0x124: {  	v8 =	vadd.f32 v10, v8  }
0x125: {  	v10 =	vld [tilespmem:s11+$0x3340]  }
0x126: {  	v8 =	vadd.f32 v11, v8  }
0x127: {  	v11 =	vld [tilespmem:s11+$0x3740]  }
0x128: {  	v8 =	vadd.f32 v9, v8  }
0x129: {  	s10 =	simm.s32 $0x10;
	v9 =	vld [tilespmem:s11+$0x3B40]  }
0x12a: {  	v12 =	vld [tilespmem:s10+$0x1F40];
	v8 =	vadd.f32 v10, v8  }
0x12b: {  	v10 =	vld [tilespmem:s11+$0x3F40]  }
0x12c: {  	v13 =	vld [tilespmem:s10+$0x2340];
	v8 =	vadd.f32 v11, v8  }
0x12d: {  	v11 =	vld [tilespmem:s11+$0x4340]  }
0x12e: {  	v14 =	vld [tilespmem:s10+$0x2740];
	v8 =	vadd.f32 v9, v8  }
0x12f: {  	v9 =	vld [tilespmem:s11+$0x4740]  }
0x130: {  	v15 =	vld [tilespmem:s10+$0x2B40];
	v12 =	vadd.f32 $0.0e+00, v12;
	v8 =	vadd.f32 v10, v8  }
0x131: {  	v10 =	vld [tilespmem:s11+$0x4B40]  }
0x132: {  	v16 =	vld [tilespmem:s10+$0x2F40];
	v12 =	vadd.f32 v13, v12;
	v8 =	vadd.f32 v11, v8  }
0x133: {  	v13 =	vld [tilespmem:s11+$0x4F40]  }
0x134: {  	v17 =	vld [tilespmem:s10+$0x3340];
	v11 =	vadd.f32 v14, v12;
	v8 =	vadd.f32 v9, v8  }
0x135: {  	v14 =	vld [tilespmem:s11+$0x5340]  }
0x136: {  	v9 =	vadd.f32 v15, v11;
	v11 =	vld [tilespmem:s10+$0x3740];
	v10 =	vadd.f32 v10, v8  }
0x137: {  	v8 =	vld [tilespmem:s11+$0x5740]  }
0x138: {  	v12 =	vld [tilespmem:s10+$0x3B40];
	v15 =	vadd.f32 v16, v9;
	v63 =	vadd.f32 v13, v10  }
0x139: {  	v9 =	vld [tilespmem:s11+$0x5B40]  }
0x13a: {  	s12 =	simm.s32 $0x20;
	s13 =	simm.s32 $0xC0;
	v13 =	vadd.f32 v17, v15;
	v10 =	vld [tilespmem:s10+$0x3F40];
	v14 =	vadd.f32 v14, v63  }
.LBB2_10:
0x13b: {  	p0 =	sne.s32 s13, $0xFC0;
	v15 =	vld [tilespmem:s12+$0x1F40]  }
0x13c: {  	v11 =	vadd.f32 v11, v13;
	v13 =	vld [tilespmem:s10+$0x4340];
	v8 =	vadd.f32 v8, v14  }
0x13d: {  	v14 =	vld [tilespmem:s12+$0x2340]  }
0x13e: {  	v11 =	vadd.f32 v12, v11;
	v12 =	vld [tilespmem:s10+$0x4740];
	v8 =	vadd.f32 v9, v8  }
0x13f: {  	v9 =	vld [tilespmem:s12+$0x2740]  }
0x140: {  	v15 =	vadd.f32 $0.0e+00, v15;
	v10 =	vadd.f32 v10, v11;
	v11 =	vld [tilespmem:s10+$0x4B40];
	[tilespmem:s11+$0x11F40] =	vst v8;
	s11 =	smov.u32 s10;
	s10 =	smov.u32 s12  }
0x141: {  	v8 =	vld [tilespmem:s10+$0x2B40]  }
0x142: {  	v14 =	vadd.f32 v14, v15;
	v10 =	vadd.f32 v13, v10;
	v13 =	vld [tilespmem:s11+$0x4F40]  }
0x143: {  	v15 =	vld [tilespmem:s10+$0x2F40]  }
0x144: {  	v9 =	vadd.f32 v9, v14;
	v10 =	vadd.f32 v12, v10;
	v14 =	vld [tilespmem:s11+$0x5340]  }
0x145: {  	v16 =	vld [tilespmem:s10+$0x3340]  }
.Ltmp4:
0x146: {  	v9 =	vadd.f32 v8, v9;
	v10 =	vadd.f32 v11, v10;
	v8 =	vld [tilespmem:s11+$0x5740];
	(pc) =	sbr.rel @p0 .LBB2_10-.Ltmp4, $4  }
0x147: {  	v11 =	vld [tilespmem:s10+$0x3740]  }
0x148: {  	v15 =	vadd.f32 v15, v9;
	v17 =	vadd.f32 v13, v10;
	v9 =	vld [tilespmem:s11+$0x5B40]  }
0x149: {  	v12 =	vld [tilespmem:s10+$0x3B40]  }
0x14a: {  	s12 =	sshra.s32 s13, $0x2;
	s13 =	sadd.s32 $0x40, s13;
	v13 =	vadd.f32 v16, v15;
	v10 =	vld [tilespmem:s10+$0x3F40];
	v14 =	vadd.f32 v14, v17  }
0x14b: {  	v15 =	vld [tilespmem:s12+$0x1F40]  }
0x14c: {  	v16 =	vld [tilespmem:s10+$0x4340];
	v8 =	vadd.f32 v8, v14  }
0x14d: {  	v44 =	vld [tilespmem:s12+$0x2340]  }
0x14e: {  	v17 =	vld [tilespmem:s10+$0x4740];
	v11 =	vadd.f32 v11, v13;
	v8 =	vadd.f32 v9, v8  }
0x14f: {  	v45 =	vld [tilespmem:s12+$0x2740]  }
0x150: {  	v46 =	vld [tilespmem:s10+$0x4B40];
	v11 =	vadd.f32 v12, v11;
	v47 =	vadd.f32 $0.0e+00, v15;
	[tilespmem:s11+$0x11F40] =	vst v8  }
0x151: {  	v8 =	vld [tilespmem:s12+$0x2B40]  }
0x152: {  	v10 =	vadd.f32 v10, v11;
	v48 =	vadd.f32 v44, v47  }
0x153: {  	v49 =	vld [tilespmem:s12+$0x2F40]  }
0x154: {  	v50 =	vld [tilespmem:s10+$0x4F40];
	v10 =	vadd.f32 v16, v10;
	v9 =	vadd.f32 v45, v48  }
0x155: {  	v51 =	vld [tilespmem:s12+$0x3340]  }
0x156: {  	v52 =	vld [tilespmem:s10+$0x5340];
	v10 =	vadd.f32 v17, v10;
	v8 =	vadd.f32 v8, v9  }
0x157: {  	v53 =	vld [tilespmem:s12+$0x3740]  }
0x158: {  	v54 =	vld [tilespmem:s10+$0x5740];
	v10 =	vadd.f32 v46, v10;
	v8 =	vadd.f32 v49, v8  }
0x159: {  	v55 =	vld [tilespmem:s12+$0x3B40]  }
0x15a: {  	v56 =	vld [tilespmem:s10+$0x5B40];
	v10 =	vadd.f32 v50, v10;
	v8 =	vadd.f32 v51, v8  }
0x15b: {  	v57 =	vld [tilespmem:s12+$0x3F40]  }
0x15c: {  	v10 =	vadd.f32 v52, v10;
	v8 =	vadd.f32 v53, v8  }
0x15d: {  	v58 =	vld [tilespmem:s12+$0x4340]  }
0x15e: {  	v10 =	vadd.f32 v54, v10;
	v8 =	vadd.f32 v55, v8  }
0x15f: {  	v59 =	vld [tilespmem:s12+$0x4740]  }
0x160: {  	v10 =	vadd.f32 v56, v10;
	v8 =	vadd.f32 v57, v8  }
0x161: {  	v60 =	vld [tilespmem:s12+$0x4B40]  }
0x162: {  	[tilespmem:s10+$0x11F40] =	vst v10;
	v8 =	vadd.f32 v58, v8  }
0x163: {  	v61 =	vld [tilespmem:s12+$0x4F40]  }
0x164: {  	v8 =	vadd.f32 v59, v8  }
0x165: {  	v10 =	vld [tilespmem:s12+$0x5340]  }
0x166: {  	v8 =	vadd.f32 v60, v8  }
0x167: {  	v62 =	vld [tilespmem:s12+$0x5740]  }
0x168: {  	v8 =	vadd.f32 v61, v8  }
0x169: {  	v63 =	vld [tilespmem:s12+$0x5B40]  }
0x16a: {  	v8 =	vadd.f32 v10, v8;
	_ =	sdelay $0x1  }
0x16b: {  	v8 =	vadd.f32 v62, v8;
	_ =	sdelay $0x1  }
0x16c: {  	s9 =	sadd.s32 $0x1, s9;
	v8 =	vadd.f32 v63, v8  }
0x16d: {  	p0 =	sne.s32 s9, s25  }
.Ltmp5:
0x16e: {  	[tilespmem:s12+$0x11F40] =	vst v8;
	(pc) =	sbr.rel @p0 .LBB2_1-.Ltmp5, $4  }
0x16f: {  	[hbm4b:s24+s3] =	stream.linear.scatter [tilespmem:s2], [sflag:$0x1], $0x400, $0x38;
	[tilespmem:$0x19F50] =	vst v63  }
0x170: {  	_ =	swait.ge [sflag:s28], $0x400  }
0x171: {  	[sflag:s28] =	ssyncset.done $0x0  }
0x172: {  	[sflag:s28] =	ssyncadd.s32 $0xFFFFFC00  }
0x173: {  	_ =	sfence.sel $0x180000  }
0x174: {  	[bflag:$0x0] =	sbarrier.arrive $0xFFFF  }
0x175: {  	_ =	strace $0x90000047  }
0x176: {  	s0 =	stileid.u32;
	[bflag:$0x2] =	sbarrier.arrive $0xFFFF  }
0x177: {  	p0 =	sne.s32 s0, $0x0;
	s0 =	rddreg [dreg:$0x3]  }
0x178: {  	s0 =	sadd.s32 @!p0 $0x100000, s0  }
0x179: {  	[sflag:s0] =	ssyncadd.tile.s32 @!p0 $0x1;
	_ =	shalt  }
.Lfunc_end2:
_tile_overlayer_lowered:
.L_overlay_start_2:
0x17a: {  	(tag) =	ssettag $0x2  }
0x17b: {  	s0 =	rddreg [dreg:$0x0];
	s2 =	stileid.u32  }
0x17c: {  	s1 =	rddreg [dreg:$0x1];
	p0 =	sne.s32 s2, $0x0  }
0x17d: {  	s3 =	rddreg [dreg:$0x2];
	[bflag:$0x3] =	sbarrier.arrive $0xFFFF;
	s2 =	simm.s32 @!p0 $0x1C01  }
0x17e: {  	[timem:s3], [sflag:s2] =	dma.local @!p0 [hbm:s0], s1  }
0x17f: {  	s0 =	simm.s32 @!p0 $0x1  }
0x180: {  	_ =	swait.ge @!p0 [sflag:s0], s1  }
0x181: {  	s1 =	ssub.s32 @!p0 $0x0, s1;
	[sflag:s0] =	ssyncset.done @!p0 $0x0  }
0x182: {  	[sflag:s0] =	ssyncadd.s32 @!p0 s1  }
0x183: {  	[bflag:$0x3] =	sbarrier.arrive $0xFFFF  }
0x184: {  	_ =	shalt  }

// kernel: kernel.7.cloned.1.call-start
scs
__scs_entry_jumppad:
0x0: {  	(pc) =	sbr.rel $0x88, $3  }
0x1: {  	(tag) =	ssettag $0x0;
	lr =	simm.s32 $0x1  }
0x2: {  	[smem:$0x3F9D] =	sst lr;
	_ =	strace $0xD0000000  }
0x3: {  	_ = 	snop  }
0x4: {  	_ = 	snop  }
0x5: {  	_ = 	snop  }
0x6: {  	_ = 	snop  }
0x7: {  	_ = 	snop  }
__scs_overlays_trampoline_lowered:
0x8: {  	[smem:$0x3FAC] =	sst s0  }
0x9: {  	[smem:$0x3FAD] =	sst s1  }
0xa: {  	[smem:$0x3FAE] =	sst s2  }
0xb: {  	[smem:$0x3FAF] =	sst s3  }
0xc: {  	[smem:$0x3FB0] =	sst s4  }
0xd: {  	[smem:$0x3FB1] =	sst s5  }
0xe: {  	[smem:$0x3FB2] =	sst s6  }
0xf: {  	[smem:$0x3FB3] =	sst s7  }
0x10: {  	[smem:$0x3FB4] =	sst s8  }
0x11: {  	[smem:$0x3FB5] =	sst s9;
	s0 =	simm.s32 @!p0 $0x0  }
0x12: {  	s1 =	sld [smem:$0x3F9B];
	s0 =	simm.s32 @p0 $0x1  }
0x13: {  	[smem:$0x3FB6] =	sst s0;
	s0 =	simm.s32 @!p1 $0x0  }
0x14: {  	s2 =	sld [smem:$0x3F9A];
	s0 =	simm.s32 @p1 $0x1  }
0x15: {  	[smem:$0x3FB7] =	sst s0;
	s0 =	simm.s32 @!p2 $0x0  }
0x16: {  	s3 =	sld [smem:$0x3FDB];
	s0 =	simm.s32 @p2 $0x1  }
0x17: {  	s4 =	simm.s32 $0x1BF5;
	[smem:$0x3FB9] =	sst s0  }
0x18: {  	s0 =	sld [smem:$0x3F9C];
	_ =	swait.ge [sflag:s4], $0x0  }
0x19: {  	s7 =	sld [smem:$0x3F9D]  }
0x1a: {  	s8 =	sadd.s32 $0xFFFFE003, lr  }
0x1b: {  	s9 =	sadd.s32 $0xFFFFFEF7, lr;
	s5 =	simm.s32 $0xFFFFFFFF;
	p2 =	slt.u32 s8, $0xFFFFF086  }
0x1c: {  	p1 =	slt.u32 s9, $0xF7A;
	s5 =	simm.s32 @!p2 $0x0  }
0x1d: {  	s5 =	simm.s32 @p1 $0x1;
	p0 =	seq.s32 s7, s2  }
0x1e: {  	s7 =	smul.u32 @!p0 $0xF7A, s2;
	p2 =	seq.s32 @!p0 s5, $0x0  }
0x1f: {  	s9 =	smul.u32 $0xF7A, s1;
	s8 =	simm.s32 @!p0 $0x1BF5;
	p2 =	por !p2, p0  }
0x20: {  	[sflag:s8] =	ssyncset.s32 @!p0 $0xFFFFF086;
	s6 =	sadd.s32 @!p0 s3, s7;
	s7 =	simm.s32 @!p0 $0x108  }
0x21: {  	s3 =	sadd.s32 s3, s9;
	s6 =	sadd.s32 @!p0 $0x88, s6;
	s7 =	simm.s32 @p2 $0x1082  }
0x22: {  	[simem:s7], [sflag:s8] =	dma.local @!p0 [hbm:s6], $0xF7A  }
0x23: {  	s9 =	sor.u32 $0xD0000000, s2;
	s6 =	simm.s32 $0x108;
	_ =	swait.ge @!p0 [sflag:s8], $0x0  }
0x24: {  	s3 =	sadd.s32 $0x88, s3;
	s6 =	simm.s32 @!p1 $0x1082;
	[sflag:s4] =	ssyncset.s32 $0xFFFFF086  }
0x25: {  	[simem:s6], [sflag:s4] =	dma.local [hbm:s3], $0xF7A  }
0x26: {  	[smem:$0x3F9D] =	sst s1;
	(tag) =	ssettag s2;
	_ =	strace s9  }
0x27: {  	s1 =	sld [smem:$0x3FAD]  }
0x28: {  	s2 =	sld [smem:$0x3FAE]  }
0x29: {  	s4 =	sld [smem:$0x3FB0]  }
0x2a: {  	p0 =	seq.s32 s5, $0x0;
	s5 =	sld [smem:$0x3FB1]  }
0x2b: {  	s6 =	sld [smem:$0x3FB2]  }
0x2c: {  	s7 =	sld [smem:$0x3FB3]  }
0x2d: {  	s3 =	simm.s32 $0x108;
	s8 =	sld [smem:$0x3FB4]  }
0x2e: {  	s3 =	simm.s32 @!p0 $0x1082;
	s9 =	sld [smem:$0x3FB5]  }
0x2f: {  	lr =	sadd.s32 s0, s3;
	s0 =	sld [smem:$0x3FAC]  }
0x30: {  	s3 =	sld [smem:$0x3FAF]  }
0x31: {  	[smem:$0x3FB8] =	sst s10  }
0x32: {  	s10 =	sld [smem:$0x3FB6];
	_ =	sdelay $0x3  }
0x33: {  	p0 =	seq.s32 s10, $0x1;
	s10 =	sld [smem:$0x3FB8];
	_ =	sdelay $0x3  }
0x34: {  	[smem:$0x3FB8] =	sst s10  }
0x35: {  	s10 =	sld [smem:$0x3FB7];
	_ =	sdelay $0x3  }
0x36: {  	p1 =	seq.s32 s10, $0x1;
	s10 =	sld [smem:$0x3FB8];
	_ =	sdelay $0x3  }
0x37: {  	[smem:$0x3FB8] =	sst s10  }
0x38: {  	s10 =	sld [smem:$0x3FB9]  }
0x39: {  	_ = 	snop;
	(pc) =	sbr.ind lr, $3  }
0x3a: {  	_ = 	snop  }
0x3b: {  	_ = 	snop  }
0x3c: {  	p2 =	seq.s32 s10, $0x1;
	s10 =	sld [smem:$0x3FB8]  }
0x3d: {  	_ =	shalt  }
0x3e: {  	_ =	shalt  }
0x3f: {  	_ =	shalt  }
0x40: {  	_ =	shalt  }
0x41: {  	_ =	shalt  }
0x42: {  	_ =	shalt  }
0x43: {  	_ =	shalt  }
0x44: {  	_ =	shalt  }
0x45: {  	_ =	shalt  }
0x46: {  	_ =	shalt  }
0x47: {  	_ =	shalt  }
0x48: {  	_ =	shalt  }
0x49: {  	_ =	shalt  }
0x4a: {  	_ =	shalt  }
0x4b: {  	_ =	shalt  }
0x4c: {  	_ =	shalt  }
0x4d: {  	_ =	shalt  }
0x4e: {  	_ =	shalt  }
0x4f: {  	_ =	shalt  }
0x50: {  	_ =	shalt  }
0x51: {  	_ =	shalt  }
0x52: {  	_ =	shalt  }
0x53: {  	_ =	shalt  }
0x54: {  	_ =	shalt  }
0x55: {  	_ =	shalt  }
0x56: {  	_ =	shalt  }
0x57: {  	_ =	shalt  }
0x58: {  	_ =	shalt  }
0x59: {  	_ =	shalt  }
0x5a: {  	_ =	shalt  }
0x5b: {  	_ =	shalt  }
0x5c: {  	_ =	shalt  }
0x5d: {  	_ =	shalt  }
0x5e: {  	_ =	shalt  }
0x5f: {  	_ =	shalt  }
0x60: {  	_ =	shalt  }
0x61: {  	_ =	shalt  }
0x62: {  	_ =	shalt  }
0x63: {  	_ =	shalt  }
0x64: {  	_ =	shalt  }
0x65: {  	_ =	shalt  }
0x66: {  	_ =	shalt  }
0x67: {  	_ =	shalt  }
0x68: {  	_ =	shalt  }
0x69: {  	_ =	shalt  }
0x6a: {  	_ =	shalt  }
0x6b: {  	_ =	shalt  }
0x6c: {  	_ =	shalt  }
0x6d: {  	_ =	shalt  }
0x6e: {  	_ =	shalt  }
0x6f: {  	_ =	shalt  }
0x70: {  	_ =	shalt  }
0x71: {  	_ =	shalt  }
0x72: {  	_ =	shalt  }
0x73: {  	_ =	shalt  }
0x74: {  	_ =	shalt  }
0x75: {  	_ =	shalt  }
0x76: {  	_ =	shalt  }
0x77: {  	_ =	shalt  }
0x78: {  	_ =	shalt  }
0x79: {  	_ =	shalt  }
0x7a: {  	_ =	shalt  }
0x7b: {  	_ =	shalt  }
0x7c: {  	_ =	shalt  }
0x7d: {  	_ =	shalt  }
0x7e: {  	_ =	shalt  }
0x7f: {  	_ =	shalt  }
0x80: {  	_ =	shalt  }
0x81: {  	_ =	shalt  }
0x82: {  	_ =	shalt  }
0x83: {  	_ =	shalt  }
0x84: {  	_ =	shalt  }
0x85: {  	_ =	shalt  }
0x86: {  	_ =	shalt  }
0x87: {  	_ =	shalt  }
.Lfunc_end0:
.L_simem_size_0:
called_computation.1_lowered:
.L_overlay_start_0:
0x88: {  	s2 =	sld [smem:$0x3FD9]  }
0x89: {  	s3 =	sld [smem:$0x3FFE];
	_ =	sdelay $0x1  }
0x8a: {  	s1 =	srdreg.scid  }
0x8b: {  	s0 =	sand.u32 $0x1, s1  }
0x8c: {  	s17 =	sshll.u32 s0, $0xA;
	s2 =	sadd.s32 s3, s2  }
0x8d: {  	s2 =	sadd.s32 s2, s17  }
0x8e: {  	[smem:$0x3FC4] =	sst s2  }
0x8f: {  	_ = 	snop  }
0x90: {  	s2 =	sld [smem:$0x3FC8]  }
0x91: {  	s18 =	sld [smem:$0x3FD0];
	(tm) =	ssettm $0x1  }
0x92: {  	s4 =	sld [smem:$0x3FFB];
	_ =	sdelay $0x3  }
0x93: {  	_ =	strace s4  }
0x94: {  	s4 =	sld [smem:$0x3FFC];
	_ =	sdelay $0x3  }
0x95: {  	_ =	strace s4  }
0x96: {  	s4 =	sld [smem:$0x3FFD];
	_ =	sdelay $0x3  }
0x97: {  	_ =	strace s4  }
0x98: {  	_ =	strace $0x8FFFFFFF  }
0x99: {  	s19 =	sld [smem:$0x3FDB];
	_ =	sdelay $0x1  }
0x9a: {  	s5 =	simm.s32 $_scs_section_size  }
0x9b: {  	s6 =	simm.s32 $_size__tile_overlayer_lowered;
	s7 =	simm.s32 $_tile_overlayer_lowered  }
0x9c: {  	s22 =	simm.s32 $0x1BFF;
	s21 =	sshll.u32 s7, $0x1;
	s4 =	sadd.s32 s5, s19  }
0x9d: {  	s8 =	simm.s32 $0x0;
	s20 =	sshll.u32 s6, $0x1;
	s6 =	sadd.s32 s21, s4  }
0x9e: {  	[timem:s8], [sflag:s22] =	dma.local [hbm:s6], s20  }
0x9f: {  	_ =	swait.ge [sflag:s22], s20  }
0xa0: {  	s5 =	ssub.s32 $0x0, s20;
	[sflag:s22] =	ssyncset.done $0x0  }
0xa1: {  	[sflag:s22] =	ssyncadd.s32 s5;
	_ =	sdelay $0x1  }
0xa2: {  	s23 =	simm.s32 $0x1B8B  }
0xa3: {  	_ =	swait.ge [sflag:s23], $0x1  }
0xa4: {  	[sflag:s23] =	ssyncset.done $0x0  }
0xa5: {  	s25 =	simm.s32 $0x1B8E;
	s24 =	sld [smem:$0x3FFE];
	[sflag:s23] =	ssyncadd.s32 $0xFFFFFFFF  }
0xa6: {  	s26 =	simm.s32 $execute0_lowered;
	[smem:$0x3FD2] =	sst s25  }
0xa7: {  	s6 =	sshll.u32 s26, $0x1;
	_ =	strace $0x80000049;
	[dreg:$0x1] =	wrdreg $0xFFFFFFFF  }
0xa8: {  	s28 =	simm.s32 $_size_execute0_lowered;
	s4 =	sadd.s32 s4, s6;
	[dreg:$0x0] =	wrdreg $0x0  }
0xa9: {  	s6 =	sshll.u32 s28, $0x1;
	[dreg:$0x2] =	wrdreg s4  }
0xaa: {  	[dreg:$0x3] =	wrdreg s6  }
0xab: {  	[dreg:$0x4] =	wrdreg $0xC0  }
0xac: {  	_ =	task [dreg:s8], $0x5FFFF  }
0xad: {  	[dreg:$0x1] =	wrdreg $0xFFFFFFFF  }
0xae: {  	[dreg:$0x0] =	wrdreg $0x60  }
0xaf: {  	[dreg:$0x2] =	wrdreg s24  }
0xb0: {  	[dreg:$0x3] =	wrdreg s2  }
0xb1: {  	[dreg:$0x4] =	wrdreg s18  }
0xb2: {  	[dreg:$0x5] =	wrdreg $0x9  }
0xb3: {  	_ =	task.clear_ibuf [dreg:s8], $0x6FFFF;
	_ =	strace $0x90000049  }
0xb4: {  	s29 =	simm.s32 $0x9;
	_ =	strace $0x8000004B  }
0xb5: {  	_ =	swait.ge [sflag:s29], $0x1  }
0xb6: {  	[sflag:s29] =	ssyncadd.s32 $0xFFFFFFFF  }
0xb7: {  	_ =	strace $0x9000004B  }
0xb8: {  	_ =	sfence  }
0xb9: {  	s30 =	sld [smem:$0x0];
	_ =	sdelay $0x2  }
0xba: {  	s31 =	sshll.u32 s1, $0xD;
	s1 =	sshrl.u32 s1, $0x2  }
0xbb: {  	s3 =	sand.u32 $0x4000, s31;
	s1 =	sadd.s32 s1, s30  }
0xbc: {  	s0 =	sor.u32 s3, s0;
	s1 =	sshll.u32 s1, $0x11  }
0xbd: {  	s0 =	sor.u32 s1, s0  }
0xbe: {  	s0 =	sadd.s32 $0x8F2B, s0  }
0xbf: {  	[sflag:s0] =	ssyncadd.remote.s32 $0x1  }
0xc0: {  	_ =	sfence.sel $0xFFFF  }
0xc1: {  	[dreg:$0x0] =	wrdreg $0xFFFFFFFF;
	(pc) =	sbr.abs _section_cstart, $3  }
0xc2: {  	[dreg:$0x1] =	wrdreg $0xFFFFFFFF  }
0xc3: {  	_ =	task.clear_ibuf [dreg:s8], $0x2FFFF;
	_ =	strace $0x9FFFFFFF  }
0xc4: {  	(tm) =	ssettm $0x7FFFFFFF  }
0xc5: {  	_ =	shalt  }
tec
execute0_lowered:
.L_overlay_start_1:
0x0: {  	(tag) =	ssettag $0x1  }
0x1: {  	v0 =	vimm.s32 $0xEFCDAB89;
	v1 =	vimm.s32 $0x67452301  }
0x2: {  	s10 =	rddreg [dreg:$0x0];
	v0 =	vunpack.c.l.s4.s8 v0;
	v1 =	vunpack.c.l.s4.s8 v1  }
0x3: {  	s1 =	rddreg [dreg:$0x1];
	v2 =	vimm.s32 $0xDCFE98BA  }
0x4: {  	s2 =	rddreg [dreg:$0x2];
	v3 =	vimm.s32 $0x54761032;
	v0 =	vunpack.c.0.s8.s32 v0;
	v1 =	vunpack.c.0.s8.s32 v1  }
0x5: {  	s0 =	rddreg [dreg:$0x3];
	s3 =	simm.s32 $0x0;
	s7 =	srdreg.scid;
	v4 =	vimm.s32 $0x45670123;
	v2 =	vunpack.c.l.s4.s8 v2;
	v3 =	vunpack.c.l.s4.s8 v3  }
0x6: {  	vm0 =	vcmask $0x1B10;
	s15 =	simm.s32 $0x2710;
	s16 =	simm.s32 $0x6710;
	s17 =	simm.s32 $0x7D0;
	v1 =	vcombine.low v1, v0  }
0x7: {  	s18 =	simm.s32 $0xFA0;
	s19 =	simm.s32 $0x1770;
	s20 =	simm.s32 $0xA710;
	v0 =	vunpack.c.0.s8.s32 v2;
	v2 =	vunpack.c.0.s8.s32 v3;
	v3 =	vimm.s32 $0xCDEF89AB  }
0x8: {  	vm1 =	vcmask $0xB00;
	s21 =	simm.s32 $0x1F40;
	s22 =	simm.s32 $0x0;
	[smem:$0x7FF] =	sst s3;
	v4 =	vunpack.c.l.s4.s8 v4;
	v3 =	vunpack.c.l.s4.s8 v3  }
0x9: {  	v5 =	vlaneseq.u32;
	s4 =	sadd.s32 $0xC4600, s10;
	s5 =	sadd.s32 $0x62A00, s10;
	s6 =	sadd.s32 $0xE00, s10;
	vm0 =	vmor vm1, vm0  }
0xa: {  	s11 =	sand.u32 $0x1, s7;
	s8 =	sadd.s32 $0x126200, s10;
	s7 =	stileid.u32;
	vm1 =	vcmask $0x2B20;
	v4 =	vunpack.c.0.s8.s32 v4;
	v3 =	vunpack.c.0.s8.s32 v3  }
0xb: {  	s9 =	sadd.s32 $0x127200, s10;
	s10 =	sadd.s32 $0x126A00, s10;
	s12 =	ssub.s32 $0x2, s11;
	vm0 =	vmor vm0, vm1;
	v2 =	vcombine.low v2, v0;
	v0 =	vshrl.u32 v5, $0x2  }
0xc: {  	_ =	strace $0x8000004A;
	s14 =	sshll.u32 s7, $0x1;
	vm1 =	vcmask $0x3B30;
	s13 =	sshrl.u32 s12, $0x1;
	v0 =	vmul.u32 $0x4, v0;
	v3 =	vcombine.low v4, v3  }
0xd: {  	s11 =	sor.u32 s11, s14;
	s14 =	simm.s32 $0xE720;
	vm0 =	vmor vm0, vm1;
	s12 =	ssub.s32 s12, s13;
	v1 =	vand.u32 $0xF, v1  }
0xe: {  	s11 =	smul.u32 $0x186A0, s11;
	s13 =	simm.s32 $0x1;
	s12 =	smax.u32 s12, $0x1;
	v2 =	vand.u32 $0xF, v2;
	v0 =	vor.u32 $0x3, v0;
	v3 =	vand.u32 $0xF, v3  }
.LBB2_1:
0xf: {  	[tilespmem:s15], [sflag:$0x1] =	stream.linear.gather [hbm4b:s8+s3], $0x4000, $0x38;
	[tilespmem:$0xE740] =	vst v63  }
0x10: {  	_ =	swait.ge [sflag:s13], $0x4000  }
0x11: {  	[sflag:s13] =	ssyncset.done $0x0  }
0x12: {  	[sflag:s13] =	ssyncadd.s32 $0xFFFFC000  }
0x13: {  	[tilespmem:s16], [sflag:$0x1] =	stream.linear.gather [hbm4b:s10+s3], $0x4000, $0x38;
	[tilespmem:$0xE740] =	vst v63  }
0x14: {  	_ =	swait.ge [sflag:s13], $0x4000  }
0x15: {  	[sflag:s13] =	ssyncset.done $0x0  }
0x16: {  	[sflag:s13] =	ssyncadd.s32 $0xFFFFC000  }
0x17: {  	[tilespmem:s14], [sflag:$0x1] =	stream.linear.gather [hbm4b:s9+s3], $0x20, $0x38;
	[tilespmem:$0xE740] =	vst v63  }
0x18: {  	_ =	swait.ge [sflag:s13], $0x20  }
0x19: {  	[sflag:s13] =	ssyncset.done $0x0  }
0x1a: {  	[sflag:s13] =	ssyncadd.s32 $0xFFFFFFE0  }
0x1b: {  	v5 =	vld [tilespmem:s15+$0x0]  }
0x1c: {  	v6 =	vld [tilespmem:s16+$0x0];
	_ =	sdelay $0x2  }
0x1d: {  	v7 =	vor.u32 s3, v0;
	_ =	sdelay $0x1  }
0x1e: {  	v6 =	vadd.f32 v6, v5  }
0x1f: {  	v4 =	vld [tilespmem:$0xE720]  }
0x20: {  	v5 =	vld [tilespmem:$0xE730];
	[tilespmem:s15+$0x0] =	vst v6  }
0x21: {  	v7 =	vld.idx.msk [tilespmem:v7+s15+$0x0], $0xffff;
	_ =	sdelay $0x4  }
0x22: {  	v7 =	vmax.f32 v7, $1.000000000e+00  }
0x23: {  	(erf) = vrcp.f32 v7;
	_ =	sdelay $0x8  }
0x24: {  	v7 =	vpop (erf)  }
0x25: {  	v7 =	vmul.f32 v7, v6  }
0x26: {  	v6 =	vor.u32 s3, v3  }
0x27: {  	v9 =	vor.u32 s3, v1;
	v8 =	vmul.f32 v7, v7  }
0x28: {  	v10 =	vor.u32 s3, v2  }
0x29: {  	v8 =	vnsel vm0, $0x0, v8  }
0x2a: {  	[tilespmem:s16+$0x0] =	vst v8  }
0x2b: {  	v6 =	vld.idx.msk [tilespmem:v6+s16+$0x0], $0xffff  }
0x2c: {  	v8 =	vld.idx.msk [tilespmem:v9+s16+$0x0], $0xffff  }
0x2d: {  	v9 =	vld.idx.msk [tilespmem:v10+s16+$0x0], $0xffff;
	_ =	sdelay $0x4  }
0x2e: {  	v8 =	vadd.f32 $0.0e+00, v8;
	v6 =	vadd.f32 v6, v9;
	_ =	sdelay $0x1  }
0x2f: {  	v8 =	vadd.f32 v8, v6;
	_ =	sdelay $0x1  }
0x30: {  	v6 =	vmul.f32 $-2.000000000e+00, v4;
	v8 =	vmul.f32 v8, v4  }
0x31: {  	s24 =	simm.s32 $0x10;
	s25 =	simm.s32 $0x2710  }
0x32: {  	s26 =	simm.s32 $0x6710;
	s29 =	simm.s32 $0xA710;
	s28 =	simm.s32 $0xA710;
	v7 =	vmul.f32 v7, v6;
	v8 =	vadd.f32 v8, v5  }
.LBB2_2:
0x33: {  	s25 =	sadd.s32 $0x10, s25;
	s26 =	sadd.s32 $0x10, s26;
	s29 =	sadd.s32 $0x10, s29  }
0x34: {  	p0 =	sne.s32 s24, $0x3FF0;
	s23 =	smov.u32 s24;
	s24 =	sadd.s32 $0x10, s24;
	v7 =	vsel vm0, v7, v8  }
0x35: {  	[tilespmem:s28+$0x0] =	vst v7;
	s28 =	smov.u32 s29  }
0x36: {  	v7 =	vld [tilespmem:s25+$0x0]  }
0x37: {  	v8 =	vld [tilespmem:s26+$0x0];
	_ =	sdelay $0x2  }
0x38: {  	v9 =	vor.u32 s23, v0;
	_ =	sdelay $0x1  }
0x39: {  	v7 =	vadd.f32 v8, v7;
	_ =	sdelay $0x1  }
0x3a: {  	[tilespmem:s25+$0x0] =	vst v7  }
0x3b: {  	v8 =	vld.idx.msk [tilespmem:v9+s15+$0x0], $0xffff;
	_ =	sdelay $0x5  }
0x3c: {  	v8 =	vmax.f32 v8, $1.000000000e+00  }
0x3d: {  	(erf) = vrcp.f32 v8;
	_ =	sdelay $0x8  }
0x3e: {  	v8 =	vpop (erf)  }
0x3f: {  	v7 =	vmul.f32 v8, v7  }
0x40: {  	v8 =	vor.u32 s23, v3  }
0x41: {  	v10 =	vor.u32 s23, v1;
	v11 =	vor.u32 s23, v2;
	v9 =	vmul.f32 v7, v7;
	_ =	sdelay $0x1  }
0x42: {  	v9 =	vnsel vm0, $0x0, v9  }
0x43: {  	[tilespmem:s26+$0x0] =	vst v9  }
0x44: {  	v8 =	vld.idx.msk [tilespmem:v8+s16+$0x0], $0xffff  }
0x45: {  	v9 =	vld.idx.msk [tilespmem:v10+s16+$0x0], $0xffff  }
0x46: {  	v10 =	vld.idx.msk [tilespmem:v11+s16+$0x0], $0xffff;
	_ =	sdelay $0x4  }
0x47: {  	v9 =	vadd.f32 $0.0e+00, v9  }
0x48: {  	v8 =	vadd.f32 v8, v10;
	_ =	sdelay $0x1  }
.Ltmp0:
0x49: {  	v8 =	vadd.f32 v9, v8;
	(pc) =	sbr.rel @p0 .LBB2_2-.Ltmp0, $4  }
0x4a: {  	_ = 	snop  }
0x4b: {  	v8 =	vmul.f32 v8, v4  }
0x4c: {  	v7 =	vmul.f32 v7, v6  }
0x4d: {  	s23 =	simm.s32 $0x0;
	v8 =	vadd.f32 v8, v5  }
0x4e: {  	_ = 	snop  }
0x4f: {  	v5 =	vsel vm0, v7, v8  }
0x50: {  	s24 =	simm.s32 $0x0;
	[tilespmem:s28+$0x0] =	vst v5  }
.LBB2_4:
0x51: {  	s25 =	smul.u32 $0x7D0, s24;
	_ =	sdelay $0x1  }
0x52: {  	s25 =	sadd.s32 s11, s25  }
0x53: {  	s25 =	sshrl.u32 s25, $0x3  }
0x54: {  	s26 =	sadd.s32 s4, s25  }
0x55: {  	[tilespmem:s23], [sflag:$0x1] =	stream.linear.gather [hbm4b:s26+s23], $0x7D0, $0x38;
	[tilespmem:$0xE740] =	vst v63  }
0x56: {  	_ =	swait.ge [sflag:s13], $0x7D0  }
0x57: {  	[sflag:s13] =	ssyncset.done $0x0  }
0x58: {  	s31 =	sadd.s32 s5, s25;
	[sflag:s13] =	ssyncadd.s32 $0xFFFFF830  }
0x59: {  	[tilespmem:s17], [sflag:$0x1] =	stream.linear.gather [hbm4b:s31+s23], $0x7D0, $0x38;
	[tilespmem:$0xE740] =	vst v63  }
0x5a: {  	_ =	swait.ge [sflag:s13], $0x7D0  }
0x5b: {  	[sflag:s13] =	ssyncset.done $0x0  }
0x5c: {  	s30 =	sadd.s32 s6, s25;
	[sflag:s13] =	ssyncadd.s32 $0xFFFFF830  }
0x5d: {  	[tilespmem:s18], [sflag:$0x1] =	stream.linear.gather [hbm4b:s30+s23], $0x7D0, $0x38;
	[tilespmem:$0xE740] =	vst v63  }
0x5e: {  	_ =	swait.ge [sflag:s13], $0x7D0  }
0x5f: {  	[sflag:s13] =	ssyncset.done $0x0  }
0x60: {  	s31 =	sadd.s32 s1, s25;
	[sflag:s13] =	ssyncadd.s32 $0xFFFFF830  }
0x61: {  	[tilespmem:s19], [sflag:$0x1] =	stream.linear.gather [hbm4b:s31+s23], $0x7D0, $0x38;
	[tilespmem:$0xE740] =	vst v63  }
0x62: {  	_ =	swait.ge [sflag:s13], $0x7D0  }
0x63: {  	[sflag:s13] =	ssyncset.done $0x0  }
0x64: {  	s26 =	simm.s32 $0x0;
	[sflag:s13] =	ssyncadd.s32 $0xFFFFF830  }
0x65: {  	v5 =	vld [tilespmem:s26+$0x1770];
	_ =	sdelay $0x4  }
0x66: {  	v5 =	vshll.u32 v5, $0x2  }
0x67: {  	v6 =	vor.u32 $0x1, v5  }
0x68: {  	v7 =	vld [tilespmem:s26+$0xFA0]  }
0x69: {  	v8 =	vld [tilespmem:s26+$0x0];
	v9 =	vor.u32 $0x2, v5  }
0x6a: {  	v10 =	vld [tilespmem:s26+$0x7D0]  }
0x6b: {  	v11 =	vld.idx.msk [tilespmem:v5+s20+$0x0], $0xffff  }
0x6c: {  	v6 =	vld.idx.msk [tilespmem:v6+s20+$0x0], $0xffff;
	_ =	sdelay $0x1  }
0x6d: {  	v9 =	vld.idx.msk [tilespmem:v9+s20+$0x0], $0xffff  }
0x6e: {  	v12 =	vmul.f32 v8, v8;
	v13 =	vmul.f32 v10, v10;
	v5 =	vor.u32 $0x3, v5  }
0x6f: {  	v14 =	vmul.f32 v7, v7  }
0x70: {  	v12 =	vadd.f32 v13, v12;
	v8 =	vmul.f32 v11, v8;
	v6 =	vmul.f32 v6, v10;
	_ =	sdelay $0x1  }
0x71: {  	v63 =	vadd.f32 v14, v12;
	v7 =	vmul.f32 v9, v7;
	v6 =	vadd.f32 v6, v8  }
0x72: {  	v5 =	vld.idx.msk [tilespmem:v5+s20+$0x0], $0xffff  }
0x73: {  	v6 =	vadd.f32 v7, v6;
	v7 =	vmul.f32 v63, v4;
	_ =	sdelay $0x1  }
0x74: {  	v6 =	vadd.f32 v6, v7;
	_ =	sdelay $0x1  }
0x75: {  	v5 =	vadd.f32 v6, v5;
	_ =	sdelay $0x1  }
0x76: {  	v5 =	vsub.f32 $0.0e+00, v5;
	_ =	sdelay $0x1  }
0x77: {  	v5 =	vmul.f32 $1.442695020e+00, v5;
	_ =	sdelay $0x1  }
0x78: {  	(erf) = vpow2.f32 v5;
	_ =	sdelay $0x8  }
0x79: {  	v5 =	vpop (erf)  }
0x7a: {  	v5 =	vadd.f32 $1.000000000e+00, v5;
	_ =	sdelay $0x1  }
0x7b: {  	(erf) = vrcp.f32 v5;
	_ =	sdelay $0x1  }
0x7c: {  	s29 =	simm.s32 $0x10;
	s28 =	simm.s32 $0x80  }
.LBB2_5:
0x7d: {  	p0 =	sne.s32 s28, $0x1F00;
	v5 =	vld [tilespmem:s29+$0x1770];
	_ =	sdelay $0x4  }
0x7e: {  	v5 =	vshll.u32 v5, $0x2  }
0x7f: {  	v6 =	vor.u32 $0x1, v5;
	v7 =	vpop (erf)  }
0x80: {  	v8 =	vld [tilespmem:s29+$0xFA0];
	v7 =	vadd.f32 $9.999999740e-05, v7  }
0x81: {  	v10 =	vor.u32 $0x2, v5;
	v9 =	vld [tilespmem:s29+$0x0]  }
0x82: {  	v11 =	vld [tilespmem:s29+$0x7D0];
	[tilespmem:s26+$0x1F40] =	vst v7;
	s26 =	smov.u32 s29  }
0x83: {  	v7 =	vld.idx.msk [tilespmem:v5+s20+$0x0], $0xffff  }
0x84: {  	v6 =	vld.idx.msk [tilespmem:v6+s20+$0x0], $0xffff;
	_ =	sdelay $0x1  }
0x85: {  	v10 =	vld.idx.msk [tilespmem:v10+s20+$0x0], $0xffff  }
0x86: {  	v5 =	vor.u32 $0x3, v5  }
0x87: {  	v12 =	vmul.f32 v9, v9;
	v13 =	vmul.f32 v11, v11  }
0x88: {  	v14 =	vmul.f32 v8, v8  }
0x89: {  	v7 =	vmul.f32 v7, v9;
	v12 =	vadd.f32 v13, v12;
	v6 =	vmul.f32 v6, v11;
	_ =	sdelay $0x1  }
0x8a: {  	v9 =	vadd.f32 v14, v12;
	v6 =	vadd.f32 v6, v7;
	v7 =	vmul.f32 v10, v8;
	v5 =	vld.idx.msk [tilespmem:v5+s20+$0x0], $0xffff;
	_ =	sdelay $0x1  }
0x8b: {  	v6 =	vadd.f32 v7, v6;
	v7 =	vmul.f32 v9, v4;
	_ =	sdelay $0x1  }
0x8c: {  	v6 =	vadd.f32 v6, v7;
	_ =	sdelay $0x1  }
0x8d: {  	v5 =	vadd.f32 v6, v5;
	_ =	sdelay $0x1  }
0x8e: {  	v5 =	vsub.f32 $0.0e+00, v5;
	_ =	sdelay $0x1  }
0x8f: {  	v5 =	vmul.f32 $1.442695020e+00, v5;
	_ =	sdelay $0x1  }
0x90: {  	(erf) = vpow2.f32 v5;
	_ =	sdelay $0x8  }
0x91: {  	v5 =	vpop (erf)  }
.Ltmp1:
0x92: {  	v5 =	vadd.f32 $1.000000000e+00, v5;
	(pc) =	sbr.rel @p0 .LBB2_5-.Ltmp1, $3  }
0x93: {  	_ = 	snop  }
0x94: {  	(erf) = vrcp.f32 v5;
	_ =	sdelay $0x1  }
0x95: {  	s29 =	sshra.s32 s28, $0x2;
	s28 =	sadd.s32 $0x40, s28  }
0x96: {  	v5 =	vld [tilespmem:s29+$0x1770];
	_ =	sdelay $0x4  }
0x97: {  	v5 =	vshll.u32 v5, $0x2  }
0x98: {  	v6 =	vor.u32 $0x1, v5;
	v7 =	vpop (erf)  }
0x99: {  	v8 =	vld [tilespmem:s29+$0xFA0];
	v7 =	vadd.f32 $9.999999740e-05, v7  }
0x9a: {  	v9 =	vld [tilespmem:s29+$0x0];
	v10 =	vor.u32 $0x2, v5  }
0x9b: {  	v11 =	vld [tilespmem:s29+$0x7D0];
	[tilespmem:s26+$0x1F40] =	vst v7  }
0x9c: {  	v7 =	vld.idx.msk [tilespmem:v5+s20+$0x0], $0xffff  }
0x9d: {  	v6 =	vld.idx.msk [tilespmem:v6+s20+$0x0], $0xffff;
	_ =	sdelay $0x1  }
0x9e: {  	v10 =	vld.idx.msk [tilespmem:v10+s20+$0x0], $0xffff  }
0x9f: {  	v12 =	vmul.f32 v9, v9;
	v13 =	vmul.f32 v11, v11;
	v5 =	vor.u32 $0x3, v5  }
0xa0: {  	v14 =	vmul.f32 v8, v8  }
0xa1: {  	v12 =	vadd.f32 v13, v12;
	v7 =	vmul.f32 v7, v9;
	v6 =	vmul.f32 v6, v11;
	_ =	sdelay $0x1  }
0xa2: {  	v63 =	vadd.f32 v14, v12;
	v6 =	vadd.f32 v6, v7;
	v7 =	vmul.f32 v10, v8  }
0xa3: {  	v5 =	vld.idx.msk [tilespmem:v5+s20+$0x0], $0xffff  }
0xa4: {  	v6 =	vadd.f32 v7, v6;
	v7 =	vmul.f32 v63, v4;
	_ =	sdelay $0x1  }
0xa5: {  	v6 =	vadd.f32 v6, v7;
	_ =	sdelay $0x1  }
0xa6: {  	v5 =	vadd.f32 v6, v5;
	_ =	sdelay $0x1  }
0xa7: {  	v5 =	vsub.f32 $0.0e+00, v5;
	_ =	sdelay $0x1  }
0xa8: {  	v5 =	vmul.f32 $1.442695020e+00, v5;
	_ =	sdelay $0x1  }
0xa9: {  	(erf) = vpow2.f32 v5;
	_ =	sdelay $0x8  }
0xaa: {  	v5 =	vpop (erf)  }
0xab: {  	v5 =	vadd.f32 $1.000000000e+00, v5;
	_ =	sdelay $0x1  }
0xac: {  	(erf) = vrcp.f32 v5;
	_ =	sdelay $0x8  }
0xad: {  	v5 =	vpop (erf)  }
0xae: {  	s24 =	sadd.s32 $0x1, s24;
	v5 =	vadd.f32 $9.999999740e-05, v5  }
0xaf: {  	p0 =	sne.s32 s24, $0x32  }
.Ltmp2:
0xb0: {  	s25 =	sadd.s32 s2, s25;
	[tilespmem:s29+$0x1F40] =	vst v5;
	(pc) =	sbr.rel @p0 .LBB2_4-.Ltmp2, $4  }
0xb1: {  	[hbm4b:s25+s3] =	stream.linear.scatter [tilespmem:s21], [sflag:$0x1], $0x7D0, $0x38;
	[tilespmem:$0xE740] =	vst v63  }
0xb2: {  	_ =	swait.ge [sflag:s13], $0x7D0  }
0xb3: {  	[sflag:s13] =	ssyncset.done $0x0  }
0xb4: {  	[sflag:s13] =	ssyncadd.s32 $0xFFFFF830  }
0xb5: {  	s22 =	sadd.s32 $0x1, s22  }
0xb6: {  	p0 =	sne.s32 s22, s12  }
.Ltmp3:
0xb7: {  	_ = 	snop;
	(pc) =	sbr.rel @p0 .LBB2_1-.Ltmp3, $1  }
0xb8: {  	_ =	sdelay $0x3  }
0xb9: {  	_ =	sfence.sel $0x180000  }
0xba: {  	[bflag:$0x0] =	sbarrier.arrive $0xFFFF  }
0xbb: {  	p0 =	sne.s32 s7, $0x0;
	_ =	strace $0x9000004A  }
0xbc: {  	s0 =	sadd.s32 @!p0 $0x100000, s0;
	[bflag:$0x2] =	sbarrier.arrive $0xFFFF  }
0xbd: {  	[sflag:s0] =	ssyncadd.tile.s32 @!p0 $0x1;
	_ =	shalt  }
.Lfunc_end2:
_tile_overlayer_lowered:
.L_overlay_start_2:
0xbe: {  	(tag) =	ssettag $0x2  }
0xbf: {  	s0 =	rddreg [dreg:$0x0];
	s2 =	stileid.u32  }
0xc0: {  	s1 =	rddreg [dreg:$0x1];
	p0 =	sne.s32 s2, $0x0  }
0xc1: {  	s3 =	rddreg [dreg:$0x2];
	[bflag:$0x3] =	sbarrier.arrive $0xFFFF;
	s2 =	simm.s32 @!p0 $0x1C01  }
0xc2: {  	[timem:s3], [sflag:s2] =	dma.local @!p0 [hbm:s0], s1  }
0xc3: {  	s0 =	simm.s32 @!p0 $0x1  }
0xc4: {  	_ =	swait.ge @!p0 [sflag:s0], s1  }
0xc5: {  	s1 =	ssub.s32 @!p0 $0x0, s1;
	[sflag:s0] =	ssyncset.done @!p0 $0x0  }
0xc6: {  	[sflag:s0] =	ssyncadd.s32 @!p0 s1  }
0xc7: {  	[bflag:$0x3] =	sbarrier.arrive $0xFFFF  }
0xc8: {  	_ =	shalt  }

</sc_bundles>
